<compile_context>
chip_gen: v7x
topology: tpu7x:2x2x1
jax: 0.10.2.dev20260603
libtpu: 0.0.44.dev20260713+nightly
codegen_flags: <defaults>
</compile_context>

<pallas_src>
import functools
import jax
import jax.numpy as jnp
import numpy as np
from jax.experimental import pallas as pl

C = 128
NH = 8
DH = C // NH
NQ = 900
NV = 100 * 100 * 8
E = 600000
SP = 1024
TV = 640
NT = NV // TV


def _agent_kernel(xs_ref, g1_ref, bn1_ref, wk_ref, bk_ref, wv_ref, bv_ref,
                  k_ref, vm_ref):
    xs = xs_ref[...]
    m = jnp.mean(xs, axis=-1, keepdims=True)
    v = jnp.mean((xs - m) * (xs - m), axis=-1, keepdims=True)
    xsn = (xs - m) / jnp.sqrt(v + 1e-5) * g1_ref[0, :] + bn1_ref[0, :]
    mask = (jnp.sum(xsn, axis=-1, keepdims=True) != 0).astype(jnp.float32)
    k_ref[...] = jnp.dot(xsn, wk_ref[...], preferred_element_type=jnp.float32) + bk_ref[0, :]
    vv = jnp.dot(xsn, wv_ref[...], preferred_element_type=jnp.float32) + bv_ref[0, :]
    vm_ref[...] = vv * mask


def _voxel_kernel(xt_ref, cnt_ref, k_ref, vm_ref,
                  wq_ref, bq_ref, wih_ref, bih_ref, whh_ref, bhh_ref,
                  wo_ref, bo_ref, g3_ref, bn3_ref, w1_ref, bf1_ref,
                  w2_ref, bf2_ref, out_ref):
    xt = xt_ref[...]
    cnt = cnt_ref[...]
    q = jnp.dot(xt, wq_ref[...], preferred_element_type=jnp.float32) + bq_ref[0, :]
    kk = k_ref[...].astype(jnp.bfloat16)
    vm = vm_ref[...].astype(jnp.bfloat16)
    qb = q.astype(jnp.bfloat16)
    cntb = cnt.astype(jnp.bfloat16)
    scale = np.float32(1.0 / np.sqrt(float(DH)))
    aggs = []
    for h in range(NH):
        qh = qb[:, h * DH:(h + 1) * DH]
        kh = kk[:, h * DH:(h + 1) * DH]
        ah = jax.lax.dot_general(qh, kh, (((1,), (1,)), ((), ())),
                                 preferred_element_type=jnp.float32) * scale
        amx = jnp.max(ah, axis=1, keepdims=True)
        w = cntb * jnp.exp((ah - amx).astype(jnp.bfloat16))
        vme = jnp.concatenate(
            [vm[:, h * DH:(h + 1) * DH],
             jnp.ones((SP, 1), jnp.bfloat16)], axis=1)
        num = jnp.dot(w, vme, preferred_element_type=jnp.float32)
        aggs.append(num[:, :DH] / (num[:, DH:DH + 1] + 1e-16))
    agg = jnp.concatenate(aggs, axis=1)
    gate = jax.nn.sigmoid(
        jnp.dot(agg, wih_ref[...], preferred_element_type=jnp.float32) + bih_ref[0, :]
        + jnp.dot(xt, whh_ref[...], preferred_element_type=jnp.float32) + bhh_ref[0, :])
    upd = agg * gate
    mha = jnp.dot(upd, wo_ref[...], preferred_element_type=jnp.float32) + bo_ref[0, :]
    xt2 = xt + mha
    m = jnp.mean(xt2, axis=-1, keepdims=True)
    v = jnp.mean((xt2 - m) * (xt2 - m), axis=-1, keepdims=True)
    xtn = (xt2 - m) / jnp.sqrt(v + 1e-5) * g3_ref[0, :] + bn3_ref[0, :]
    ff = jnp.maximum(
        jnp.dot(xtn, w1_ref[...], preferred_element_type=jnp.float32) + bf1_ref[0, :], 0.0)
    ff = jnp.dot(ff, w2_ref[...], preferred_element_type=jnp.float32) + bf2_ref[0, :]
    out_ref[...] = xt2 + ff


@jax.jit
def kernel(agent_feat, vox_feat, edge_src, edge_dst, Wq, bq, Wk, bk, Wv, bv,
           Wih, bih, Whh, bhh, Wo, bo, g1, bn1, g3, bn3, W1, bf1, W2, bf2):
    xs = agent_feat.reshape(NQ, C)
    xt = vox_feat.reshape(NV, C)
    xsp = jnp.pad(xs, ((0, SP - NQ), (0, 0)))

    r2 = lambda a: a.reshape(1, -1)

    k_mat, vm_mat = pl.pallas_call(
        _agent_kernel,
        out_shape=[jax.ShapeDtypeStruct((SP, C), jnp.float32),
                   jax.ShapeDtypeStruct((SP, C), jnp.float32)],
    )(xsp, r2(g1), r2(bn1), Wk, r2(bk), Wv, r2(bv))

    cnt = jnp.zeros((NV, SP), jnp.float32).at[edge_dst, edge_src].add(1.0)

    bcast = pl.BlockSpec((SP, C), lambda i: (0, 0))
    wspec = lambda s: pl.BlockSpec(s, lambda i: (0, 0))
    out = pl.pallas_call(
        _voxel_kernel,
        grid=(NT,),
        in_specs=[
            pl.BlockSpec((TV, C), lambda i: (i, 0)),
            pl.BlockSpec((TV, SP), lambda i: (i, 0)),
            bcast,
            bcast,
            wspec((C, C)), wspec((1, C)),
            wspec((C, C)), wspec((1, C)),
            wspec((C, C)), wspec((1, C)),
            wspec((C, C)), wspec((1, C)),
            wspec((1, C)), wspec((1, C)),
            wspec((C, 4 * C)), wspec((1, 4 * C)),
            wspec((4 * C, C)), wspec((1, C)),
        ],
        out_specs=pl.BlockSpec((TV, C), lambda i: (i, 0)),
        out_shape=jax.ShapeDtypeStruct((NV, C), jnp.float32),
    )(xt, cnt, k_mat, vm_mat,
      Wq, r2(bq), Wih, r2(bih), Whh, r2(bhh), Wo, r2(bo),
      r2(g3), r2(bn3), W1, r2(bf1), W2, r2(bf2))

    return out.reshape(1, 100, 100, 8, C)

# --- scband reference (transcript-rebuilt; emitter-appended) ---
"""Pipeline reference for scband-dqa-12799002542473 (READ-ONLY COPY).

The authoritative reference and input builder live on the scoring server;
editing this copy changes nothing except your own understanding.
"""

import jax, jax.numpy as jnp
import numpy as np

C = 128
NH = 8
DH = C // NH
NQ = 900
NV = 100 * 100 * 8
E = 600000

def _ln(x, g, b):
    m = jnp.mean(x, axis=-1, keepdims=True)
    v = jnp.var(x, axis=-1, keepdims=True)
    return (x - m) / jnp.sqrt(v + 1e-5) * g + b

def setup_inputs(seed: int = 0):
    key = jax.random.key(seed)
    ks = jax.random.split(key, 26)
    def w(i, shape):
        return jax.random.normal(ks[i], shape, dtype=jnp.float32) * 0.02
    return {
        'agent_feat': jax.random.normal(ks[0], (1, NQ, C), dtype=jnp.float32),
        'vox_feat': jax.random.normal(ks[1], (1, 100, 100, 8, C), dtype=jnp.float32),
        'edge_src': jax.random.randint(ks[2], (E,), 0, NQ, dtype=jnp.int32),
        'edge_dst': jax.random.randint(ks[3], (E,), 0, NV, dtype=jnp.int32),
        'Wq': w(4, (C, C)), 'bq': w(5, (C,)),
        'Wk': w(6, (C, C)), 'bk': w(7, (C,)),
        'Wv': w(8, (C, C)), 'bv': w(9, (C,)),
        'Wih': w(10, (C, C)), 'bih': w(11, (C,)),
        'Whh': w(12, (C, C)), 'bhh': w(13, (C,)),
        'Wo': w(14, (C, C)), 'bo': w(15, (C,)),
        'g1': jnp.ones((C,), jnp.float32), 'bn1': jnp.zeros((C,), jnp.float32),
        'g3': jnp.ones((C,), jnp.float32), 'bn3': jnp.zeros((C,), jnp.float32),
        'W1': w(20, (C, 4 * C)), 'bf1': w(21, (4 * C,)),
        'W2': w(22, (4 * C, C)), 'bf2': w(23, (C,)),
    }

def reference(agent_feat, vox_feat, edge_src, edge_dst, Wq, bq, Wk, bk, Wv, bv, Wih, bih, Whh, bhh, Wo, bo, g1, bn1, g3, bn3, W1, bf1, W2, bf2):
    xs = agent_feat.reshape(-1, C)
    xt = vox_feat.reshape(-1, C)
    xsn = _ln(xs, g1, bn1)
    xj = xsn[edge_src]
    xi = xt[edge_dst]
    q = (xi @ Wq + bq).reshape(-1, NH, DH)
    k = (xj @ Wk + bk).reshape(-1, NH, DH)
    v = (xj @ Wv + bv).reshape(-1, NH, DH)
    alpha = jnp.sum(q * k, axis=-1) / jnp.sqrt(float(DH))
    amax = jax.ops.segment_max(alpha, edge_dst, num_segments=NV)
    amax = jnp.where(jnp.isfinite(amax), amax, 0.0)
    ae = jnp.exp(alpha - amax[edge_dst])
    asum = jax.ops.segment_sum(ae, edge_dst, num_segments=NV)
    attn = ae / (asum[edge_dst] + 1e-16)
    mask = jax.lax.stop_gradient((jnp.sum(xj, axis=-1) != 0).astype(xj.dtype))
    msg = v * attn[:, :, None] * mask[:, None, None]
    agg = jax.ops.segment_sum(msg.reshape(-1, C), edge_dst, num_segments=NV)
    gate = jax.nn.sigmoid(agg @ Wih + bih + xt @ Whh + bhh)
    upd = agg * gate
    mha = upd @ Wo + bo
    xt2 = xt + mha
    xtn = _ln(xt2, g3, bn3)
    ff = jnp.maximum(xtn @ W1 + bf1, 0.0) @ W2 + bf2
    out = (xt2 + ff).reshape(1, 100, 100, 8, C)
    return out

if __name__ == "__main__":
    import jax
    _d = setup_inputs()
    print(jax.jit(kernel)(*tuple(_d.values())))

</pallas_src>

<mosaic_0001>
module attributes {stable_mosaic.version = 14 : i64} {
  func.func @_agent_kernel(%arg0: memref<1024x128xf32, #tpu.memory_space<vmem>>, %arg1: memref<1x128xf32, #tpu.memory_space<vmem>>, %arg2: memref<1x128xf32, #tpu.memory_space<vmem>>, %arg3: memref<128x128xf32, #tpu.memory_space<vmem>>, %arg4: memref<1x128xf32, #tpu.memory_space<vmem>>, %arg5: memref<128x128xf32, #tpu.memory_space<vmem>>, %arg6: memref<1x128xf32, #tpu.memory_space<vmem>>, %arg7: memref<1024x128xf32, #tpu.memory_space<vmem>>, %arg8: memref<1024x128xf32, #tpu.memory_space<vmem>>) attributes {dimension_semantics = [], scalar_prefetch = 0 : i64, scratch_operands = 0 : i64, tpu.core_type = #tpu.core_type<tc>} {
    %get3A = arith.constant 0 : index
    %get3A_0 = arith.constant 0 : index
    %get3A_1 = vector.load %arg0[%get3A, %get3A_0] : memref<1024x128xf32, #tpu.memory_space<vmem>>, vector<1024x128xf32>
    %reduce_sum3A = arith.constant dense<0.000000e+00> : vector<1024xf32>
    %reduce_sum3A_2 = vector.multi_reduction <add>, %get3A_1, %reduce_sum3A [1] : vector<1024x128xf32> to vector<1024xf32>
    %broadcast_in_dim3A = vector.shape_cast %reduce_sum3A_2 : vector<1024xf32> to vector<1024x1xf32>
    %div3A = arith.constant 1.280000e+02 : f32
    %div3A_3 = vector.broadcast %div3A : f32 to vector<1024x1xf32>
    %div3A_4 = arith.divf %broadcast_in_dim3A, %div3A_3 : vector<1024x1xf32>
    %sub3A = vector.broadcast %div3A_4 : vector<1024x1xf32> to vector<1024x128xf32>
    %sub3A_5 = arith.subf %get3A_1, %sub3A : vector<1024x128xf32>
    %sub3A_6 = vector.broadcast %div3A_4 : vector<1024x1xf32> to vector<1024x128xf32>
    %sub3A_7 = arith.subf %get3A_1, %sub3A_6 : vector<1024x128xf32>
    %mul3A = arith.mulf %sub3A_5, %sub3A_7 : vector<1024x128xf32>
    %reduce_sum3A_8 = arith.constant dense<0.000000e+00> : vector<1024xf32>
    %reduce_sum3A_9 = vector.multi_reduction <add>, %mul3A, %reduce_sum3A_8 [1] : vector<1024x128xf32> to vector<1024xf32>
    %broadcast_in_dim3A_10 = vector.shape_cast %reduce_sum3A_9 : vector<1024xf32> to vector<1024x1xf32>
    %div3A_11 = arith.constant 1.280000e+02 : f32
    %div3A_12 = vector.broadcast %div3A_11 : f32 to vector<1024x1xf32>
    %div3A_13 = arith.divf %broadcast_in_dim3A_10, %div3A_12 : vector<1024x1xf32>
    %sub3A_14 = vector.broadcast %div3A_4 : vector<1024x1xf32> to vector<1024x128xf32>
    %sub3A_15 = arith.subf %get3A_1, %sub3A_14 : vector<1024x128xf32>
    %add3A = arith.constant 9.99999974E-6 : f32
    %add3A_16 = vector.broadcast %add3A : f32 to vector<1024x1xf32>
    %add3A_17 = arith.addf %div3A_13, %add3A_16 : vector<1024x1xf32>
    %sqrt3A = math.sqrt %add3A_17 : vector<1024x1xf32>
    %div3A_18 = vector.broadcast %sqrt3A : vector<1024x1xf32> to vector<1024x128xf32>
    %div3A_19 = arith.divf %sub3A_15, %div3A_18 : vector<1024x128xf32>
    %get3A_20 = arith.constant 0 : index
    %get3A_21 = arith.constant 0 : index
    %get3A_22 = vector.load %arg1[%get3A_20, %get3A_21] : memref<1x128xf32, #tpu.memory_space<vmem>>, vector<1x128xf32>
    %get3A_23 = vector.shape_cast %get3A_22 : vector<1x128xf32> to vector<128xf32>
    %broadcast_in_dim3A_24 = vector.shape_cast %get3A_23 : vector<128xf32> to vector<1x128xf32>
    %mul3A_25 = vector.broadcast %broadcast_in_dim3A_24 : vector<1x128xf32> to vector<1024x128xf32>
    %mul3A_26 = arith.mulf %div3A_19, %mul3A_25 : vector<1024x128xf32>
    %get3A_27 = arith.constant 0 : index
    %get3A_28 = arith.constant 0 : index
    %get3A_29 = vector.load %arg2[%get3A_27, %get3A_28] : memref<1x128xf32, #tpu.memory_space<vmem>>, vector<1x128xf32>
    %get3A_30 = vector.shape_cast %get3A_29 : vector<1x128xf32> to vector<128xf32>
    %broadcast_in_dim3A_31 = vector.shape_cast %get3A_30 : vector<128xf32> to vector<1x128xf32>
    %add3A_32 = vector.broadcast %broadcast_in_dim3A_31 : vector<1x128xf32> to vector<1024x128xf32>
    %add3A_33 = arith.addf %mul3A_26, %add3A_32 : vector<1024x128xf32>
    %reduce_sum3A_34 = arith.constant dense<0.000000e+00> : vector<1024xf32>
    %reduce_sum3A_35 = vector.multi_reduction <add>, %add3A_33, %reduce_sum3A_34 [1] : vector<1024x128xf32> to vector<1024xf32>
    %broadcast_in_dim3A_36 = vector.shape_cast %reduce_sum3A_35 : vector<1024xf32> to vector<1024x1xf32>
    %ne3A = arith.constant 0.000000e+00 : f32
    %ne3A_37 = vector.broadcast %ne3A : f32 to vector<1024x1xf32>
    %ne3A_38 = arith.cmpf one, %broadcast_in_dim3A_36, %ne3A_37 : vector<1024x1xf32>
    %convert_element_type3A = arith.extui %ne3A_38 : vector<1024x1xi1> to vector<1024x1xi32>
    %convert_element_type3A_39 = arith.sitofp %convert_element_type3A : vector<1024x1xi32> to vector<1024x1xf32>
    %get3A_40 = arith.constant 0 : index
    %get3A_41 = arith.constant 0 : index
    %get3A_42 = vector.load %arg3[%get3A_40, %get3A_41] : memref<128x128xf32, #tpu.memory_space<vmem>>, vector<128x128xf32>
    %dot_general3A = arith.constant dense<0.000000e+00> : vector<1024x128xf32>
    %dot_general3A_43 = tpu.matmul %add3A_33, %get3A_42, %dot_general3A {dimension_numbers = #tpu.dot_dimension_numbers<[1], [0], [0], [1], [0, 0, 1, 1], [], []>, transpose_lhs_hint = false} : vector<1024x128xf32>, vector<128x128xf32>, vector<1024x128xf32> -> vector<1024x128xf32>
    %get3A_44 = arith.constant 0 : index
    %get3A_45 = arith.constant 0 : index
    %get3A_46 = vector.load %arg4[%get3A_44, %get3A_45] : memref<1x128xf32, #tpu.memory_space<vmem>>, vector<1x128xf32>
    %get3A_47 = vector.shape_cast %get3A_46 : vector<1x128xf32> to vector<128xf32>
    %broadcast_in_dim3A_48 = vector.shape_cast %get3A_47 : vector<128xf32> to vector<1x128xf32>
    %add3A_49 = vector.broadcast %broadcast_in_dim3A_48 : vector<1x128xf32> to vector<1024x128xf32>
    %add3A_50 = arith.addf %dot_general3A_43, %add3A_49 : vector<1024x128xf32>
    %swap3A = arith.constant 0 : index
    %swap3A_51 = arith.constant 0 : index
    %swap3A_52 = vector.load %arg7[%swap3A, %swap3A_51] : memref<1024x128xf32, #tpu.memory_space<vmem>>, vector<1024x128xf32>
    tpu.vector_store %arg7[%swap3A, %swap3A_51], %add3A_50 {strides = array<i32>} : memref<1024x128xf32, #tpu.memory_space<vmem>>, vector<1024x128xf32>,
    %get3A_53 = arith.constant 0 : index
    %get3A_54 = arith.constant 0 : index
    %get3A_55 = vector.load %arg5[%get3A_53, %get3A_54] : memref<128x128xf32, #tpu.memory_space<vmem>>, vector<128x128xf32>
    %dot_general3A_56 = arith.constant dense<0.000000e+00> : vector<1024x128xf32>
    %dot_general3A_57 = tpu.matmul %add3A_33, %get3A_55, %dot_general3A_56 {dimension_numbers = #tpu.dot_dimension_numbers<[1], [0], [0], [1], [0, 0, 1, 1], [], []>, transpose_lhs_hint = false} : vector<1024x128xf32>, vector<128x128xf32>, vector<1024x128xf32> -> vector<1024x128xf32>
    %get3A_58 = arith.constant 0 : index
    %get3A_59 = arith.constant 0 : index
    %get3A_60 = vector.load %arg6[%get3A_58, %get3A_59] : memref<1x128xf32, #tpu.memory_space<vmem>>, vector<1x128xf32>
    %get3A_61 = vector.shape_cast %get3A_60 : vector<1x128xf32> to vector<128xf32>
    %broadcast_in_dim3A_62 = vector.shape_cast %get3A_61 : vector<128xf32> to vector<1x128xf32>
    %add3A_63 = vector.broadcast %broadcast_in_dim3A_62 : vector<1x128xf32> to vector<1024x128xf32>
    %add3A_64 = arith.addf %dot_general3A_57, %add3A_63 : vector<1024x128xf32>
    %mul3A_65 = vector.broadcast %convert_element_type3A_39 : vector<1024x1xf32> to vector<1024x128xf32>
    %mul3A_66 = arith.mulf %add3A_64, %mul3A_65 : vector<1024x128xf32>
    %swap3A_67 = arith.constant 0 : index
    %swap3A_68 = arith.constant 0 : index
    %swap3A_69 = vector.load %arg8[%swap3A_67, %swap3A_68] : memref<1024x128xf32, #tpu.memory_space<vmem>>, vector<1024x128xf32>
    tpu.vector_store %arg8[%swap3A_67, %swap3A_68], %mul3A_66 {strides = array<i32>} : memref<1024x128xf32, #tpu.memory_space<vmem>>, vector<1024x128xf32>,
    return
  }
}

module attributes {stable_mosaic.version = 14 : i64} {
  func.func @_voxel_kernel(%arg0: i32, %arg1: memref<640x128xf32, #tpu.memory_space<vmem>>, %arg2: memref<640x1024xf32, #tpu.memory_space<vmem>>, %arg3: memref<1024x128xf32, #tpu.memory_space<vmem>>, %arg4: memref<1024x128xf32, #tpu.memory_space<vmem>>, %arg5: memref<128x128xf32, #tpu.memory_space<vmem>>, %arg6: memref<1x128xf32, #tpu.memory_space<vmem>>, %arg7: memref<128x128xf32, #tpu.memory_space<vmem>>, %arg8: memref<1x128xf32, #tpu.memory_space<vmem>>, %arg9: memref<128x128xf32, #tpu.memory_space<vmem>>, %arg10: memref<1x128xf32, #tpu.memory_space<vmem>>, %arg11: memref<128x128xf32, #tpu.memory_space<vmem>>, %arg12: memref<1x128xf32, #tpu.memory_space<vmem>>, %arg13: memref<1x128xf32, #tpu.memory_space<vmem>>, %arg14: memref<1x128xf32, #tpu.memory_space<vmem>>, %arg15: memref<128x512xf32, #tpu.memory_space<vmem>>, %arg16: memref<1x512xf32, #tpu.memory_space<vmem>>, %arg17: memref<512x128xf32, #tpu.memory_space<vmem>>, %arg18: memref<1x128xf32, #tpu.memory_space<vmem>>, %arg19: memref<640x128xf32, #tpu.memory_space<vmem>>) attributes {dimension_semantics = [#tpu.dimension_semantics<arbitrary>], iteration_bounds = array<i64: 125>, scalar_prefetch = 0 : i64, scratch_operands = 0 : i64, tpu.core_type = #tpu.core_type<tc>, window_params = [{transform_indices = @transform_0, window_bounds = array<i64: 640, 128>}, {transform_indices = @transform_1, window_bounds = array<i64: 640, 1024>}, {pipeline_mode = #tpu.pipeline_mode<synchronous>, transform_indices = @transform_2, window_bounds = array<i64: 1024, 128>}, {pipeline_mode = #tpu.pipeline_mode<synchronous>, transform_indices = @transform_3, window_bounds = array<i64: 1024, 128>}, {pipeline_mode = #tpu.pipeline_mode<synchronous>, transform_indices = @transform_4, window_bounds = array<i64: 128, 128>}, {pipeline_mode = #tpu.pipeline_mode<synchronous>, transform_indices = @transform_5, window_bounds = array<i64: 1, 128>}, {pipeline_mode = #tpu.pipeline_mode<synchronous>, transform_indices = @transform_6, window_bounds = array<i64: 128, 128>}, {pipeline_mode = #tpu.pipeline_mode<synchronous>, transform_indices = @transform_7, window_bounds = array<i64: 1, 128>}, {pipeline_mode = #tpu.pipeline_mode<synchronous>, transform_indices = @transform_8, window_bounds = array<i64: 128, 128>}, {pipeline_mode = #tpu.pipeline_mode<synchronous>, transform_indices = @transform_9, window_bounds = array<i64: 1, 128>}, {pipeline_mode = #tpu.pipeline_mode<synchronous>, transform_indices = @transform_10, window_bounds = array<i64: 128, 128>}, {pipeline_mode = #tpu.pipeline_mode<synchronous>, transform_indices = @transform_11, window_bounds = array<i64: 1, 128>}, {pipeline_mode = #tpu.pipeline_mode<synchronous>, transform_indices = @transform_12, window_bounds = array<i64: 1, 128>}, {pipeline_mode = #tpu.pipeline_mode<synchronous>, transform_indices = @transform_13, window_bounds = array<i64: 1, 128>}, {pipeline_mode = #tpu.pipeline_mode<synchronous>, transform_indices = @transform_14, window_bounds = array<i64: 128, 512>}, {pipeline_mode = #tpu.pipeline_mode<synchronous>, transform_indices = @transform_15, window_bounds = array<i64: 1, 512>}, {pipeline_mode = #tpu.pipeline_mode<synchronous>, transform_indices = @transform_16, window_bounds = array<i64: 512, 128>}, {pipeline_mode = #tpu.pipeline_mode<synchronous>, transform_indices = @transform_17, window_bounds = array<i64: 1, 128>}, {transform_indices = @transform_18, window_bounds = array<i64: 640, 128>}]} {
    %get3A = arith.constant 0 : index
    %get3A_0 = arith.constant 0 : index
    %get3A_1 = vector.load %arg1[%get3A, %get3A_0] : memref<640x128xf32, #tpu.memory_space<vmem>>, vector<640x128xf32>
    %get3A_2 = arith.constant 0 : index
    %get3A_3 = arith.constant 0 : index
    %get3A_4 = vector.load %arg2[%get3A_2, %get3A_3] : memref<640x1024xf32, #tpu.memory_space<vmem>>, vector<640x1024xf32>
    %get3A_5 = arith.constant 0 : index
    %get3A_6 = arith.constant 0 : index
    %get3A_7 = vector.load %arg5[%get3A_5, %get3A_6] : memref<128x128xf32, #tpu.memory_space<vmem>>, vector<128x128xf32>
    %dot_general3A = arith.constant dense<0.000000e+00> : vector<640x128xf32>
    %dot_general3A_8 = tpu.matmul %get3A_1, %get3A_7, %dot_general3A {dimension_numbers = #tpu.dot_dimension_numbers<[1], [0], [0], [1], [0, 0, 1, 1], [], []>, transpose_lhs_hint = false} : vector<640x128xf32>, vector<128x128xf32>, vector<640x128xf32> -> vector<640x128xf32>
    %get3A_9 = arith.constant 0 : index
    %get3A_10 = arith.constant 0 : index
    %get3A_11 = vector.load %arg6[%get3A_9, %get3A_10] : memref<1x128xf32, #tpu.memory_space<vmem>>, vector<1x128xf32>
    %get3A_12 = vector.shape_cast %get3A_11 : vector<1x128xf32> to vector<128xf32>
    %broadcast_in_dim3A = vector.shape_cast %get3A_12 : vector<128xf32> to vector<1x128xf32>
    %add3A = vector.broadcast %broadcast_in_dim3A : vector<1x128xf32> to vector<640x128xf32>
    %add3A_13 = arith.addf %dot_general3A_8, %add3A : vector<640x128xf32>
    %get3A_14 = arith.constant 0 : index
    %get3A_15 = arith.constant 0 : index
    %get3A_16 = vector.load %arg3[%get3A_14, %get3A_15] : memref<1024x128xf32, #tpu.memory_space<vmem>>, vector<1024x128xf32>
    %convert_element_type3A = arith.truncf %get3A_16 : vector<1024x128xf32> to vector<1024x128xbf16>
    %get3A_17 = arith.constant 0 : index
    %get3A_18 = arith.constant 0 : index
    %get3A_19 = vector.load %arg4[%get3A_17, %get3A_18] : memref<1024x128xf32, #tpu.memory_space<vmem>>, vector<1024x128xf32>
    %convert_element_type3A_20 = arith.truncf %get3A_19 : vector<1024x128xf32> to vector<1024x128xbf16>
    %convert_element_type3A_21 = arith.truncf %add3A_13 : vector<640x128xf32> to vector<640x128xbf16>
    %convert_element_type3A_22 = arith.truncf %get3A_4 : vector<640x1024xf32> to vector<640x1024xbf16>
    %slice3A = vector.extract_strided_slice %convert_element_type3A_21 {offsets = [0, 0], sizes = [640, 16], strides = [1, 1]} : vector<640x128xbf16> to vector<640x16xbf16>
    %slice3A_23 = vector.extract_strided_slice %convert_element_type3A {offsets = [0, 0], sizes = [1024, 16], strides = [1, 1]} : vector<1024x128xbf16> to vector<1024x16xbf16>
    %dot_general3A_24 = arith.constant dense<0.000000e+00> : vector<640x1024xf32>
    %dot_general3A_25 = tpu.matmul %slice3A, %slice3A_23, %dot_general3A_24 {dimension_numbers = #tpu.dot_dimension_numbers<[1], [1], [0], [0], [0, 0, 1, 0], [], []>, transpose_lhs_hint = false} : vector<640x16xbf16>, vector<1024x16xbf16>, vector<640x1024xf32> -> vector<640x1024xf32>
    %mul3A = arith.constant 2.500000e-01 : f32
    %mul3A_26 = vector.broadcast %mul3A : f32 to vector<640x1024xf32>
    %mul3A_27 = arith.mulf %dot_general3A_25, %mul3A_26 : vector<640x1024xf32>
    %reduce_max3A = arith.constant dense<0xFF800000> : vector<640xf32>
    %reduce_max3A_28 = vector.multi_reduction <maximumf>, %mul3A_27, %reduce_max3A [1] : vector<640x1024xf32> to vector<640xf32>
    %broadcast_in_dim3A_29 = vector.shape_cast %reduce_max3A_28 : vector<640xf32> to vector<640x1xf32>
    %sub3A = vector.broadcast %broadcast_in_dim3A_29 : vector<640x1xf32> to vector<640x1024xf32>
    %sub3A_30 = arith.subf %mul3A_27, %sub3A : vector<640x1024xf32>
    %convert_element_type3A_31 = arith.truncf %sub3A_30 : vector<640x1024xf32> to vector<640x1024xbf16>
    %exp3A = math.exp %convert_element_type3A_31 : vector<640x1024xbf16>
    %mul3A_32 = arith.mulf %convert_element_type3A_22, %exp3A : vector<640x1024xbf16>
    %slice3A_33 = vector.extract_strided_slice %convert_element_type3A_20 {offsets = [0, 0], sizes = [1024, 16], strides = [1, 1]} : vector<1024x128xbf16> to vector<1024x16xbf16>
    %broadcast_in_dim3A_34 = arith.constant 1.000000e+00 : bf16
    %broadcast_in_dim3A_35 = vector.broadcast %broadcast_in_dim3A_34 : bf16 to vector<1024x1xbf16>
    %concatenate3A = tpu.concatenate %slice3A_33, %broadcast_in_dim3A_35 in 1 : vector<1024x16xbf16>, vector<1024x1xbf16> -> vector<1024x17xbf16>
    %dot_general3A_36 = arith.constant dense<0.000000e+00> : vector<640x17xf32>
    %dot_general3A_37 = tpu.matmul %mul3A_32, %concatenate3A, %dot_general3A_36 {dimension_numbers = #tpu.dot_dimension_numbers<[1], [0], [0], [1], [0, 0, 1, 1], [], []>, transpose_lhs_hint = false} : vector<640x1024xbf16>, vector<1024x17xbf16>, vector<640x17xf32> -> vector<640x17xf32>
    %slice3A_38 = vector.extract_strided_slice %dot_general3A_37 {offsets = [0, 0], sizes = [640, 16], strides = [1, 1]} : vector<640x17xf32> to vector<640x16xf32>
    %slice3A_39 = vector.extract_strided_slice %dot_general3A_37 {offsets = [0, 16], sizes = [640, 1], strides = [1, 1]} : vector<640x17xf32> to vector<640x1xf32>
    %add3A_40 = arith.constant 1.000000e-16 : f32
    %add3A_41 = vector.broadcast %add3A_40 : f32 to vector<640x1xf32>
    %add3A_42 = arith.addf %slice3A_39, %add3A_41 : vector<640x1xf32>
    %div3A = vector.broadcast %add3A_42 : vector<640x1xf32> to vector<640x16xf32>
    %div3A_43 = arith.divf %slice3A_38, %div3A : vector<640x16xf32>
    %slice3A_44 = vector.extract_strided_slice %convert_element_type3A_21 {offsets = [0, 16], sizes = [640, 16], strides = [1, 1]} : vector<640x128xbf16> to vector<640x16xbf16>
    %slice3A_45 = vector.extract_strided_slice %convert_element_type3A {offsets = [0, 16], sizes = [1024, 16], strides = [1, 1]} : vector<1024x128xbf16> to vector<1024x16xbf16>
    %dot_general3A_46 = arith.constant dense<0.000000e+00> : vector<640x1024xf32>
    %dot_general3A_47 = tpu.matmul %slice3A_44, %slice3A_45, %dot_general3A_46 {dimension_numbers = #tpu.dot_dimension_numbers<[1], [1], [0], [0], [0, 0, 1, 0], [], []>, transpose_lhs_hint = false} : vector<640x16xbf16>, vector<1024x16xbf16>, vector<640x1024xf32> -> vector<640x1024xf32>
    %mul3A_48 = arith.constant 2.500000e-01 : f32
    %mul3A_49 = vector.broadcast %mul3A_48 : f32 to vector<640x1024xf32>
    %mul3A_50 = arith.mulf %dot_general3A_47, %mul3A_49 : vector<640x1024xf32>
    %reduce_max3A_51 = arith.constant dense<0xFF800000> : vector<640xf32>
    %reduce_max3A_52 = vector.multi_reduction <maximumf>, %mul3A_50, %reduce_max3A_51 [1] : vector<640x1024xf32> to vector<640xf32>
    %broadcast_in_dim3A_53 = vector.shape_cast %reduce_max3A_52 : vector<640xf32> to vector<640x1xf32>
    %sub3A_54 = vector.broadcast %broadcast_in_dim3A_53 : vector<640x1xf32> to vector<640x1024xf32>
    %sub3A_55 = arith.subf %mul3A_50, %sub3A_54 : vector<640x1024xf32>
    %convert_element_type3A_56 = arith.truncf %sub3A_55 : vector<640x1024xf32> to vector<640x1024xbf16>
    %exp3A_57 = math.exp %convert_element_type3A_56 : vector<640x1024xbf16>
    %mul3A_58 = arith.mulf %convert_element_type3A_22, %exp3A_57 : vector<640x1024xbf16>
    %slice3A_59 = vector.extract_strided_slice %convert_element_type3A_20 {offsets = [0, 16], sizes = [1024, 16], strides = [1, 1]} : vector<1024x128xbf16> to vector<1024x16xbf16>
    %broadcast_in_dim3A_60 = arith.constant 1.000000e+00 : bf16
    %broadcast_in_dim3A_61 = vector.broadcast %broadcast_in_dim3A_60 : bf16 to vector<1024x1xbf16>
    %concatenate3A_62 = tpu.concatenate %slice3A_59, %broadcast_in_dim3A_61 in 1 : vector<1024x16xbf16>, vector<1024x1xbf16> -> vector<1024x17xbf16>
    %dot_general3A_63 = arith.constant dense<0.000000e+00> : vector<640x17xf32>
    %dot_general3A_64 = tpu.matmul %mul3A_58, %concatenate3A_62, %dot_general3A_63 {dimension_numbers = #tpu.dot_dimension_numbers<[1], [0], [0], [1], [0, 0, 1, 1], [], []>, transpose_lhs_hint = false} : vector<640x1024xbf16>, vector<1024x17xbf16>, vector<640x17xf32> -> vector<640x17xf32>
    %slice3A_65 = vector.extract_strided_slice %dot_general3A_64 {offsets = [0, 0], sizes = [640, 16], strides = [1, 1]} : vector<640x17xf32> to vector<640x16xf32>
    %slice3A_66 = vector.extract_strided_slice %dot_general3A_64 {offsets = [0, 16], sizes = [640, 1], strides = [1, 1]} : vector<640x17xf32> to vector<640x1xf32>
    %add3A_67 = arith.constant 1.000000e-16 : f32
    %add3A_68 = vector.broadcast %add3A_67 : f32 to vector<640x1xf32>
    %add3A_69 = arith.addf %slice3A_66, %add3A_68 : vector<640x1xf32>
    %div3A_70 = vector.broadcast %add3A_69 : vector<640x1xf32> to vector<640x16xf32>
    %div3A_71 = arith.divf %slice3A_65, %div3A_70 : vector<640x16xf32>
    %slice3A_72 = vector.extract_strided_slice %convert_element_type3A_21 {offsets = [0, 32], sizes = [640, 16], strides = [1, 1]} : vector<640x128xbf16> to vector<640x16xbf16>
    %slice3A_73 = vector.extract_strided_slice %convert_element_type3A {offsets = [0, 32], sizes = [1024, 16], strides = [1, 1]} : vector<1024x128xbf16> to vector<1024x16xbf16>
    %dot_general3A_74 = arith.constant dense<0.000000e+00> : vector<640x1024xf32>
    %dot_general3A_75 = tpu.matmul %slice3A_72, %slice3A_73, %dot_general3A_74 {dimension_numbers = #tpu.dot_dimension_numbers<[1], [1], [0], [0], [0, 0, 1, 0], [], []>, transpose_lhs_hint = false} : vector<640x16xbf16>, vector<1024x16xbf16>, vector<640x1024xf32> -> vector<640x1024xf32>
    %mul3A_76 = arith.constant 2.500000e-01 : f32
    %mul3A_77 = vector.broadcast %mul3A_76 : f32 to vector<640x1024xf32>
    %mul3A_78 = arith.mulf %dot_general3A_75, %mul3A_77 : vector<640x1024xf32>
    %reduce_max3A_79 = arith.constant dense<0xFF800000> : vector<640xf32>
    %reduce_max3A_80 = vector.multi_reduction <maximumf>, %mul3A_78, %reduce_max3A_79 [1] : vector<640x1024xf32> to vector<640xf32>
    %broadcast_in_dim3A_81 = vector.shape_cast %reduce_max3A_80 : vector<640xf32> to vector<640x1xf32>
    %sub3A_82 = vector.broadcast %broadcast_in_dim3A_81 : vector<640x1xf32> to vector<640x1024xf32>
    %sub3A_83 = arith.subf %mul3A_78, %sub3A_82 : vector<640x1024xf32>
    %convert_element_type3A_84 = arith.truncf %sub3A_83 : vector<640x1024xf32> to vector<640x1024xbf16>
    %exp3A_85 = math.exp %convert_element_type3A_84 : vector<640x1024xbf16>
    %mul3A_86 = arith.mulf %convert_element_type3A_22, %exp3A_85 : vector<640x1024xbf16>
    %slice3A_87 = vector.extract_strided_slice %convert_element_type3A_20 {offsets = [0, 32], sizes = [1024, 16], strides = [1, 1]} : vector<1024x128xbf16> to vector<1024x16xbf16>
    %broadcast_in_dim3A_88 = arith.constant 1.000000e+00 : bf16
    %broadcast_in_dim3A_89 = vector.broadcast %broadcast_in_dim3A_88 : bf16 to vector<1024x1xbf16>
    %concatenate3A_90 = tpu.concatenate %slice3A_87, %broadcast_in_dim3A_89 in 1 : vector<1024x16xbf16>, vector<1024x1xbf16> -> vector<1024x17xbf16>
    %dot_general3A_91 = arith.constant dense<0.000000e+00> : vector<640x17xf32>
    %dot_general3A_92 = tpu.matmul %mul3A_86, %concatenate3A_90, %dot_general3A_91 {dimension_numbers = #tpu.dot_dimension_numbers<[1], [0], [0], [1], [0, 0, 1, 1], [], []>, transpose_lhs_hint = false} : vector<640x1024xbf16>, vector<1024x17xbf16>, vector<640x17xf32> -> vector<640x17xf32>
    %slice3A_93 = vector.extract_strided_slice %dot_general3A_92 {offsets = [0, 0], sizes = [640, 16], strides = [1, 1]} : vector<640x17xf32> to vector<640x16xf32>
    %slice3A_94 = vector.extract_strided_slice %dot_general3A_92 {offsets = [0, 16], sizes = [640, 1], strides = [1, 1]} : vector<640x17xf32> to vector<640x1xf32>
    %add3A_95 = arith.constant 1.000000e-16 : f32
    %add3A_96 = vector.broadcast %add3A_95 : f32 to vector<640x1xf32>
    %add3A_97 = arith.addf %slice3A_94, %add3A_96 : vector<640x1xf32>
    %div3A_98 = vector.broadcast %add3A_97 : vector<640x1xf32> to vector<640x16xf32>
    %div3A_99 = arith.divf %slice3A_93, %div3A_98 : vector<640x16xf32>
    %slice3A_100 = vector.extract_strided_slice %convert_element_type3A_21 {offsets = [0, 48], sizes = [640, 16], strides = [1, 1]} : vector<640x128xbf16> to vector<640x16xbf16>
    %slice3A_101 = vector.extract_strided_slice %convert_element_type3A {offsets = [0, 48], sizes = [1024, 16], strides = [1, 1]} : vector<1024x128xbf16> to vector<1024x16xbf16>
    %dot_general3A_102 = arith.constant dense<0.000000e+00> : vector<640x1024xf32>
    %dot_general3A_103 = tpu.matmul %slice3A_100, %slice3A_101, %dot_general3A_102 {dimension_numbers = #tpu.dot_dimension_numbers<[1], [1], [0], [0], [0, 0, 1, 0], [], []>, transpose_lhs_hint = false} : vector<640x16xbf16>, vector<1024x16xbf16>, vector<640x1024xf32> -> vector<640x1024xf32>
    %mul3A_104 = arith.constant 2.500000e-01 : f32
    %mul3A_105 = vector.broadcast %mul3A_104 : f32 to vector<640x1024xf32>
    %mul3A_106 = arith.mulf %dot_general3A_103, %mul3A_105 : vector<640x1024xf32>
    %reduce_max3A_107 = arith.constant dense<0xFF800000> : vector<640xf32>
    %reduce_max3A_108 = vector.multi_reduction <maximumf>, %mul3A_106, %reduce_max3A_107 [1] : vector<640x1024xf32> to vector<640xf32>
    %broadcast_in_dim3A_109 = vector.shape_cast %reduce_max3A_108 : vector<640xf32> to vector<640x1xf32>
    %sub3A_110 = vector.broadcast %broadcast_in_dim3A_109 : vector<640x1xf32> to vector<640x1024xf32>
    %sub3A_111 = arith.subf %mul3A_106, %sub3A_110 : vector<640x1024xf32>
    %convert_element_type3A_112 = arith.truncf %sub3A_111 : vector<640x1024xf32> to vector<640x1024xbf16>
    %exp3A_113 = math.exp %convert_element_type3A_112 : vector<640x1024xbf16>
    %mul3A_114 = arith.mulf %convert_element_type3A_22, %exp3A_113 : vector<640x1024xbf16>
    %slice3A_115 = vector.extract_strided_slice %convert_element_type3A_20 {offsets = [0, 48], sizes = [1024, 16], strides = [1, 1]} : vector<1024x128xbf16> to vector<1024x16xbf16>
    %broadcast_in_dim3A_116 = arith.constant 1.000000e+00 : bf16
    %broadcast_in_dim3A_117 = vector.broadcast %broadcast_in_dim3A_116 : bf16 to vector<1024x1xbf16>
    %concatenate3A_118 = tpu.concatenate %slice3A_115, %broadcast_in_dim3A_117 in 1 : vector<1024x16xbf16>, vector<1024x1xbf16> -> vector<1024x17xbf16>
    %dot_general3A_119 = arith.constant dense<0.000000e+00> : vector<640x17xf32>
    %dot_general3A_120 = tpu.matmul %mul3A_114, %concatenate3A_118, %dot_general3A_119 {dimension_numbers = #tpu.dot_dimension_numbers<[1], [0], [0], [1], [0, 0, 1, 1], [], []>, transpose_lhs_hint = false} : vector<640x1024xbf16>, vector<1024x17xbf16>, vector<640x17xf32> -> vector<640x17xf32>
    %slice3A_121 = vector.extract_strided_slice %dot_general3A_120 {offsets = [0, 0], sizes = [640, 16], strides = [1, 1]} : vector<640x17xf32> to vector<640x16xf32>
    %slice3A_122 = vector.extract_strided_slice %dot_general3A_120 {offsets = [0, 16], sizes = [640, 1], strides = [1, 1]} : vector<640x17xf32> to vector<640x1xf32>
    %add3A_123 = arith.constant 1.000000e-16 : f32
    %add3A_124 = vector.broadcast %add3A_123 : f32 to vector<640x1xf32>
    %add3A_125 = arith.addf %slice3A_122, %add3A_124 : vector<640x1xf32>
    %div3A_126 = vector.broadcast %add3A_125 : vector<640x1xf32> to vector<640x16xf32>
    %div3A_127 = arith.divf %slice3A_121, %div3A_126 : vector<640x16xf32>
    %slice3A_128 = vector.extract_strided_slice %convert_element_type3A_21 {offsets = [0, 64], sizes = [640, 16], strides = [1, 1]} : vector<640x128xbf16> to vector<640x16xbf16>
    %slice3A_129 = vector.extract_strided_slice %convert_element_type3A {offsets = [0, 64], sizes = [1024, 16], strides = [1, 1]} : vector<1024x128xbf16> to vector<1024x16xbf16>
    %dot_general3A_130 = arith.constant dense<0.000000e+00> : vector<640x1024xf32>
    %dot_general3A_131 = tpu.matmul %slice3A_128, %slice3A_129, %dot_general3A_130 {dimension_numbers = #tpu.dot_dimension_numbers<[1], [1], [0], [0], [0, 0, 1, 0], [], []>, transpose_lhs_hint = false} : vector<640x16xbf16>, vector<1024x16xbf16>, vector<640x1024xf32> -> vector<640x1024xf32>
    %mul3A_132 = arith.constant 2.500000e-01 : f32
    %mul3A_133 = vector.broadcast %mul3A_132 : f32 to vector<640x1024xf32>
    %mul3A_134 = arith.mulf %dot_general3A_131, %mul3A_133 : vector<640x1024xf32>
    %reduce_max3A_135 = arith.constant dense<0xFF800000> : vector<640xf32>
    %reduce_max3A_136 = vector.multi_reduction <maximumf>, %mul3A_134, %reduce_max3A_135 [1] : vector<640x1024xf32> to vector<640xf32>
    %broadcast_in_dim3A_137 = vector.shape_cast %reduce_max3A_136 : vector<640xf32> to vector<640x1xf32>
    %sub3A_138 = vector.broadcast %broadcast_in_dim3A_137 : vector<640x1xf32> to vector<640x1024xf32>
    %sub3A_139 = arith.subf %mul3A_134, %sub3A_138 : vector<640x1024xf32>
    %convert_element_type3A_140 = arith.truncf %sub3A_139 : vector<640x1024xf32> to vector<640x1024xbf16>
    %exp3A_141 = math.exp %convert_element_type3A_140 : vector<640x1024xbf16>
    %mul3A_142 = arith.mulf %convert_element_type3A_22, %exp3A_141 : vector<640x1024xbf16>
    %slice3A_143 = vector.extract_strided_slice %convert_element_type3A_20 {offsets = [0, 64], sizes = [1024, 16], strides = [1, 1]} : vector<1024x128xbf16> to vector<1024x16xbf16>
    %broadcast_in_dim3A_144 = arith.constant 1.000000e+00 : bf16
    %broadcast_in_dim3A_145 = vector.broadcast %broadcast_in_dim3A_144 : bf16 to vector<1024x1xbf16>
    %concatenate3A_146 = tpu.concatenate %slice3A_143, %broadcast_in_dim3A_145 in 1 : vector<1024x16xbf16>, vector<1024x1xbf16> -> vector<1024x17xbf16>
    %dot_general3A_147 = arith.constant dense<0.000000e+00> : vector<640x17xf32>
    %dot_general3A_148 = tpu.matmul %mul3A_142, %concatenate3A_146, %dot_general3A_147 {dimension_numbers = #tpu.dot_dimension_numbers<[1], [0], [0], [1], [0, 0, 1, 1], [], []>, transpose_lhs_hint = false} : vector<640x1024xbf16>, vector<1024x17xbf16>, vector<640x17xf32> -> vector<640x17xf32>
    %slice3A_149 = vector.extract_strided_slice %dot_general3A_148 {offsets = [0, 0], sizes = [640, 16], strides = [1, 1]} : vector<640x17xf32> to vector<640x16xf32>
    %slice3A_150 = vector.extract_strided_slice %dot_general3A_148 {offsets = [0, 16], sizes = [640, 1], strides = [1, 1]} : vector<640x17xf32> to vector<640x1xf32>
    %add3A_151 = arith.constant 1.000000e-16 : f32
    %add3A_152 = vector.broadcast %add3A_151 : f32 to vector<640x1xf32>
    %add3A_153 = arith.addf %slice3A_150, %add3A_152 : vector<640x1xf32>
    %div3A_154 = vector.broadcast %add3A_153 : vector<640x1xf32> to vector<640x16xf32>
    %div3A_155 = arith.divf %slice3A_149, %div3A_154 : vector<640x16xf32>
    %slice3A_156 = vector.extract_strided_slice %convert_element_type3A_21 {offsets = [0, 80], sizes = [640, 16], strides = [1, 1]} : vector<640x128xbf16> to vector<640x16xbf16>
    %slice3A_157 = vector.extract_strided_slice %convert_element_type3A {offsets = [0, 80], sizes = [1024, 16], strides = [1, 1]} : vector<1024x128xbf16> to vector<1024x16xbf16>
    %dot_general3A_158 = arith.constant dense<0.000000e+00> : vector<640x1024xf32>
    %dot_general3A_159 = tpu.matmul %slice3A_156, %slice3A_157, %dot_general3A_158 {dimension_numbers = #tpu.dot_dimension_numbers<[1], [1], [0], [0], [0, 0, 1, 0], [], []>, transpose_lhs_hint = false} : vector<640x16xbf16>, vector<1024x16xbf16>, vector<640x1024xf32> -> vector<640x1024xf32>
    %mul3A_160 = arith.constant 2.500000e-01 : f32
    %mul3A_161 = vector.broadcast %mul3A_160 : f32 to vector<640x1024xf32>
    %mul3A_162 = arith.mulf %dot_general3A_159, %mul3A_161 : vector<640x1024xf32>
    %reduce_max3A_163 = arith.constant dense<0xFF800000> : vector<640xf32>
    %reduce_max3A_164 = vector.multi_reduction <maximumf>, %mul3A_162, %reduce_max3A_163 [1] : vector<640x1024xf32> to vector<640xf32>
    %broadcast_in_dim3A_165 = vector.shape_cast %reduce_max3A_164 : vector<640xf32> to vector<640x1xf32>
    %sub3A_166 = vector.broadcast %broadcast_in_dim3A_165 : vector<640x1xf32> to vector<640x1024xf32>
    %sub3A_167 = arith.subf %mul3A_162, %sub3A_166 : vector<640x1024xf32>
    %convert_element_type3A_168 = arith.truncf %sub3A_167 : vector<640x1024xf32> to vector<640x1024xbf16>
    %exp3A_169 = math.exp %convert_element_type3A_168 : vector<640x1024xbf16>
    %mul3A_170 = arith.mulf %convert_element_type3A_22, %exp3A_169 : vector<640x1024xbf16>
    %slice3A_171 = vector.extract_strided_slice %convert_element_type3A_20 {offsets = [0, 80], sizes = [1024, 16], strides = [1, 1]} : vector<1024x128xbf16> to vector<1024x16xbf16>
    %broadcast_in_dim3A_172 = arith.constant 1.000000e+00 : bf16
    %broadcast_in_dim3A_173 = vector.broadcast %broadcast_in_dim3A_172 : bf16 to vector<1024x1xbf16>
    %concatenate3A_174 = tpu.concatenate %slice3A_171, %broadcast_in_dim3A_173 in 1 : vector<1024x16xbf16>, vector<1024x1xbf16> -> vector<1024x17xbf16>
    %dot_general3A_175 = arith.constant dense<0.000000e+00> : vector<640x17xf32>
    %dot_general3A_176 = tpu.matmul %mul3A_170, %concatenate3A_174, %dot_general3A_175 {dimension_numbers = #tpu.dot_dimension_numbers<[1], [0], [0], [1], [0, 0, 1, 1], [], []>, transpose_lhs_hint = false} : vector<640x1024xbf16>, vector<1024x17xbf16>, vector<640x17xf32> -> vector<640x17xf32>
    %slice3A_177 = vector.extract_strided_slice %dot_general3A_176 {offsets = [0, 0], sizes = [640, 16], strides = [1, 1]} : vector<640x17xf32> to vector<640x16xf32>
    %slice3A_178 = vector.extract_strided_slice %dot_general3A_176 {offsets = [0, 16], sizes = [640, 1], strides = [1, 1]} : vector<640x17xf32> to vector<640x1xf32>
    %add3A_179 = arith.constant 1.000000e-16 : f32
    %add3A_180 = vector.broadcast %add3A_179 : f32 to vector<640x1xf32>
    %add3A_181 = arith.addf %slice3A_178, %add3A_180 : vector<640x1xf32>
    %div3A_182 = vector.broadcast %add3A_181 : vector<640x1xf32> to vector<640x16xf32>
    %div3A_183 = arith.divf %slice3A_177, %div3A_182 : vector<640x16xf32>
    %slice3A_184 = vector.extract_strided_slice %convert_element_type3A_21 {offsets = [0, 96], sizes = [640, 16], strides = [1, 1]} : vector<640x128xbf16> to vector<640x16xbf16>
    %slice3A_185 = vector.extract_strided_slice %convert_element_type3A {offsets = [0, 96], sizes = [1024, 16], strides = [1, 1]} : vector<1024x128xbf16> to vector<1024x16xbf16>
    %dot_general3A_186 = arith.constant dense<0.000000e+00> : vector<640x1024xf32>
    %dot_general3A_187 = tpu.matmul %slice3A_184, %slice3A_185, %dot_general3A_186 {dimension_numbers = #tpu.dot_dimension_numbers<[1], [1], [0], [0], [0, 0, 1, 0], [], []>, transpose_lhs_hint = false} : vector<640x16xbf16>, vector<1024x16xbf16>, vector<640x1024xf32> -> vector<640x1024xf32>
    %mul3A_188 = arith.constant 2.500000e-01 : f32
    %mul3A_189 = vector.broadcast %mul3A_188 : f32 to vector<640x1024xf32>
    %mul3A_190 = arith.mulf %dot_general3A_187, %mul3A_189 : vector<640x1024xf32>
    %reduce_max3A_191 = arith.constant dense<0xFF800000> : vector<640xf32>
    %reduce_max3A_192 = vector.multi_reduction <maximumf>, %mul3A_190, %reduce_max3A_191 [1] : vector<640x1024xf32> to vector<640xf32>
    %broadcast_in_dim3A_193 = vector.shape_cast %reduce_max3A_192 : vector<640xf32> to vector<640x1xf32>
    %sub3A_194 = vector.broadcast %broadcast_in_dim3A_193 : vector<640x1xf32> to vector<640x1024xf32>
    %sub3A_195 = arith.subf %mul3A_190, %sub3A_194 : vector<640x1024xf32>
    %convert_element_type3A_196 = arith.truncf %sub3A_195 : vector<640x1024xf32> to vector<640x1024xbf16>
    %exp3A_197 = math.exp %convert_element_type3A_196 : vector<640x1024xbf16>
    %mul3A_198 = arith.mulf %convert_element_type3A_22, %exp3A_197 : vector<640x1024xbf16>
    %slice3A_199 = vector.extract_strided_slice %convert_element_type3A_20 {offsets = [0, 96], sizes = [1024, 16], strides = [1, 1]} : vector<1024x128xbf16> to vector<1024x16xbf16>
    %broadcast_in_dim3A_200 = arith.constant 1.000000e+00 : bf16
    %broadcast_in_dim3A_201 = vector.broadcast %broadcast_in_dim3A_200 : bf16 to vector<1024x1xbf16>
    %concatenate3A_202 = tpu.concatenate %slice3A_199, %broadcast_in_dim3A_201 in 1 : vector<1024x16xbf16>, vector<1024x1xbf16> -> vector<1024x17xbf16>
    %dot_general3A_203 = arith.constant dense<0.000000e+00> : vector<640x17xf32>
    %dot_general3A_204 = tpu.matmul %mul3A_198, %concatenate3A_202, %dot_general3A_203 {dimension_numbers = #tpu.dot_dimension_numbers<[1], [0], [0], [1], [0, 0, 1, 1], [], []>, transpose_lhs_hint = false} : vector<640x1024xbf16>, vector<1024x17xbf16>, vector<640x17xf32> -> vector<640x17xf32>
    %slice3A_205 = vector.extract_strided_slice %dot_general3A_204 {offsets = [0, 0], sizes = [640, 16], strides = [1, 1]} : vector<640x17xf32> to vector<640x16xf32>
    %slice3A_206 = vector.extract_strided_slice %dot_general3A_204 {offsets = [0, 16], sizes = [640, 1], strides = [1, 1]} : vector<640x17xf32> to vector<640x1xf32>
    %add3A_207 = arith.constant 1.000000e-16 : f32
    %add3A_208 = vector.broadcast %add3A_207 : f32 to vector<640x1xf32>
    %add3A_209 = arith.addf %slice3A_206, %add3A_208 : vector<640x1xf32>
    %div3A_210 = vector.broadcast %add3A_209 : vector<640x1xf32> to vector<640x16xf32>
    %div3A_211 = arith.divf %slice3A_205, %div3A_210 : vector<640x16xf32>
    %slice3A_212 = vector.extract_strided_slice %convert_element_type3A_21 {offsets = [0, 112], sizes = [640, 16], strides = [1, 1]} : vector<640x128xbf16> to vector<640x16xbf16>
    %slice3A_213 = vector.extract_strided_slice %convert_element_type3A {offsets = [0, 112], sizes = [1024, 16], strides = [1, 1]} : vector<1024x128xbf16> to vector<1024x16xbf16>
    %dot_general3A_214 = arith.constant dense<0.000000e+00> : vector<640x1024xf32>
    %dot_general3A_215 = tpu.matmul %slice3A_212, %slice3A_213, %dot_general3A_214 {dimension_numbers = #tpu.dot_dimension_numbers<[1], [1], [0], [0], [0, 0, 1, 0], [], []>, transpose_lhs_hint = false} : vector<640x16xbf16>, vector<1024x16xbf16>, vector<640x1024xf32> -> vector<640x1024xf32>
    %mul3A_216 = arith.constant 2.500000e-01 : f32
    %mul3A_217 = vector.broadcast %mul3A_216 : f32 to vector<640x1024xf32>
    %mul3A_218 = arith.mulf %dot_general3A_215, %mul3A_217 : vector<640x1024xf32>
    %reduce_max3A_219 = arith.constant dense<0xFF800000> : vector<640xf32>
    %reduce_max3A_220 = vector.multi_reduction <maximumf>, %mul3A_218, %reduce_max3A_219 [1] : vector<640x1024xf32> to vector<640xf32>
    %broadcast_in_dim3A_221 = vector.shape_cast %reduce_max3A_220 : vector<640xf32> to vector<640x1xf32>
    %sub3A_222 = vector.broadcast %broadcast_in_dim3A_221 : vector<640x1xf32> to vector<640x1024xf32>
    %sub3A_223 = arith.subf %mul3A_218, %sub3A_222 : vector<640x1024xf32>
    %convert_element_type3A_224 = arith.truncf %sub3A_223 : vector<640x1024xf32> to vector<640x1024xbf16>
    %exp3A_225 = math.exp %convert_element_type3A_224 : vector<640x1024xbf16>
    %mul3A_226 = arith.mulf %convert_element_type3A_22, %exp3A_225 : vector<640x1024xbf16>
    %slice3A_227 = vector.extract_strided_slice %convert_element_type3A_20 {offsets = [0, 112], sizes = [1024, 16], strides = [1, 1]} : vector<1024x128xbf16> to vector<1024x16xbf16>
    %broadcast_in_dim3A_228 = arith.constant 1.000000e+00 : bf16
    %broadcast_in_dim3A_229 = vector.broadcast %broadcast_in_dim3A_228 : bf16 to vector<1024x1xbf16>
    %concatenate3A_230 = tpu.concatenate %slice3A_227, %broadcast_in_dim3A_229 in 1 : vector<1024x16xbf16>, vector<1024x1xbf16> -> vector<1024x17xbf16>
    %dot_general3A_231 = arith.constant dense<0.000000e+00> : vector<640x17xf32>
    %dot_general3A_232 = tpu.matmul %mul3A_226, %concatenate3A_230, %dot_general3A_231 {dimension_numbers = #tpu.dot_dimension_numbers<[1], [0], [0], [1], [0, 0, 1, 1], [], []>, transpose_lhs_hint = false} : vector<640x1024xbf16>, vector<1024x17xbf16>, vector<640x17xf32> -> vector<640x17xf32>
    %slice3A_233 = vector.extract_strided_slice %dot_general3A_232 {offsets = [0, 0], sizes = [640, 16], strides = [1, 1]} : vector<640x17xf32> to vector<640x16xf32>
    %slice3A_234 = vector.extract_strided_slice %dot_general3A_232 {offsets = [0, 16], sizes = [640, 1], strides = [1, 1]} : vector<640x17xf32> to vector<640x1xf32>
    %add3A_235 = arith.constant 1.000000e-16 : f32
    %add3A_236 = vector.broadcast %add3A_235 : f32 to vector<640x1xf32>
    %add3A_237 = arith.addf %slice3A_234, %add3A_236 : vector<640x1xf32>
    %div3A_238 = vector.broadcast %add3A_237 : vector<640x1xf32> to vector<640x16xf32>
    %div3A_239 = arith.divf %slice3A_233, %div3A_238 : vector<640x16xf32>
    %concatenate3A_240 = tpu.concatenate %div3A_43, %div3A_71, %div3A_99, %div3A_127, %div3A_155, %div3A_183, %div3A_211, %div3A_239 in 1 : vector<640x16xf32>, vector<640x16xf32>, vector<640x16xf32>, vector<640x16xf32>, vector<640x16xf32>, vector<640x16xf32>, vector<640x16xf32>, vector<640x16xf32> -> vector<640x128xf32>
    %get3A_241 = arith.constant 0 : index
    %get3A_242 = arith.constant 0 : index
    %get3A_243 = vector.load %arg7[%get3A_241, %get3A_242] : memref<128x128xf32, #tpu.memory_space<vmem>>, vector<128x128xf32>
    %dot_general3A_244 = arith.constant dense<0.000000e+00> : vector<640x128xf32>
    %dot_general3A_245 = tpu.matmul %concatenate3A_240, %get3A_243, %dot_general3A_244 {dimension_numbers = #tpu.dot_dimension_numbers<[1], [0], [0], [1], [0, 0, 1, 1], [], []>, transpose_lhs_hint = false} : vector<640x128xf32>, vector<128x128xf32>, vector<640x128xf32> -> vector<640x128xf32>
    %get3A_246 = arith.constant 0 : index
    %get3A_247 = arith.constant 0 : index
    %get3A_248 = vector.load %arg8[%get3A_246, %get3A_247] : memref<1x128xf32, #tpu.memory_space<vmem>>, vector<1x128xf32>
    %get3A_249 = vector.shape_cast %get3A_248 : vector<1x128xf32> to vector<128xf32>
    %broadcast_in_dim3A_250 = vector.shape_cast %get3A_249 : vector<128xf32> to vector<1x128xf32>
    %add3A_251 = vector.broadcast %broadcast_in_dim3A_250 : vector<1x128xf32> to vector<640x128xf32>
    %add3A_252 = arith.addf %dot_general3A_245, %add3A_251 : vector<640x128xf32>
    %get3A_253 = arith.constant 0 : index
    %get3A_254 = arith.constant 0 : index
    %get3A_255 = vector.load %arg9[%get3A_253, %get3A_254] : memref<128x128xf32, #tpu.memory_space<vmem>>, vector<128x128xf32>
    %dot_general3A_256 = arith.constant dense<0.000000e+00> : vector<640x128xf32>
    %dot_general3A_257 = tpu.matmul %get3A_1, %get3A_255, %dot_general3A_256 {dimension_numbers = #tpu.dot_dimension_numbers<[1], [0], [0], [1], [0, 0, 1, 1], [], []>, transpose_lhs_hint = false} : vector<640x128xf32>, vector<128x128xf32>, vector<640x128xf32> -> vector<640x128xf32>
    %add3A_258 = arith.addf %add3A_252, %dot_general3A_257 : vector<640x128xf32>
    %get3A_259 = arith.constant 0 : index
    %get3A_260 = arith.constant 0 : index
    %get3A_261 = vector.load %arg10[%get3A_259, %get3A_260] : memref<1x128xf32, #tpu.memory_space<vmem>>, vector<1x128xf32>
    %get3A_262 = vector.shape_cast %get3A_261 : vector<1x128xf32> to vector<128xf32>
    %broadcast_in_dim3A_263 = vector.shape_cast %get3A_262 : vector<128xf32> to vector<1x128xf32>
    %add3A_264 = vector.broadcast %broadcast_in_dim3A_263 : vector<1x128xf32> to vector<640x128xf32>
    %add3A_265 = arith.addf %add3A_258, %add3A_264 : vector<640x128xf32>
    %logistic3A = arith.negf %add3A_265 : vector<640x128xf32>
    %logistic3A_266 = math.exp %logistic3A : vector<640x128xf32>
    %logistic3A_267 = arith.constant 1.000000e+00 : f32
    %logistic3A_268 = vector.broadcast %logistic3A_267 : f32 to vector<640x128xf32>
    %logistic3A_269 = arith.addf %logistic3A_268, %logistic3A_266 : vector<640x128xf32>
    %logistic3A_270 = arith.divf %logistic3A_268, %logistic3A_269 : vector<640x128xf32>
    %mul3A_271 = arith.mulf %concatenate3A_240, %logistic3A_270 : vector<640x128xf32>
    %get3A_272 = arith.constant 0 : index
    %get3A_273 = arith.constant 0 : index
    %get3A_274 = vector.load %arg11[%get3A_272, %get3A_273] : memref<128x128xf32, #tpu.memory_space<vmem>>, vector<128x128xf32>
    %dot_general3A_275 = arith.constant dense<0.000000e+00> : vector<640x128xf32>
    %dot_general3A_276 = tpu.matmul %mul3A_271, %get3A_274, %dot_general3A_275 {dimension_numbers = #tpu.dot_dimension_numbers<[1], [0], [0], [1], [0, 0, 1, 1], [], []>, transpose_lhs_hint = false} : vector<640x128xf32>, vector<128x128xf32>, vector<640x128xf32> -> vector<640x128xf32>
    %get3A_277 = arith.constant 0 : index
    %get3A_278 = arith.constant 0 : index
    %get3A_279 = vector.load %arg12[%get3A_277, %get3A_278] : memref<1x128xf32, #tpu.memory_space<vmem>>, vector<1x128xf32>
    %get3A_280 = vector.shape_cast %get3A_279 : vector<1x128xf32> to vector<128xf32>
    %broadcast_in_dim3A_281 = vector.shape_cast %get3A_280 : vector<128xf32> to vector<1x128xf32>
    %add3A_282 = vector.broadcast %broadcast_in_dim3A_281 : vector<1x128xf32> to vector<640x128xf32>
    %add3A_283 = arith.addf %dot_general3A_276, %add3A_282 : vector<640x128xf32>
    %add3A_284 = arith.addf %get3A_1, %add3A_283 : vector<640x128xf32>
    %reduce_sum3A = arith.constant dense<0.000000e+00> : vector<640xf32>
    %reduce_sum3A_285 = vector.multi_reduction <add>, %add3A_284, %reduce_sum3A [1] : vector<640x128xf32> to vector<640xf32>
    %broadcast_in_dim3A_286 = vector.shape_cast %reduce_sum3A_285 : vector<640xf32> to vector<640x1xf32>
    %div3A_287 = arith.constant 1.280000e+02 : f32
    %div3A_288 = vector.broadcast %div3A_287 : f32 to vector<640x1xf32>
    %div3A_289 = arith.divf %broadcast_in_dim3A_286, %div3A_288 : vector<640x1xf32>
    %sub3A_290 = vector.broadcast %div3A_289 : vector<640x1xf32> to vector<640x128xf32>
    %sub3A_291 = arith.subf %add3A_284, %sub3A_290 : vector<640x128xf32>
    %sub3A_292 = vector.broadcast %div3A_289 : vector<640x1xf32> to vector<640x128xf32>
    %sub3A_293 = arith.subf %add3A_284, %sub3A_292 : vector<640x128xf32>
    %mul3A_294 = arith.mulf %sub3A_291, %sub3A_293 : vector<640x128xf32>
    %reduce_sum3A_295 = arith.constant dense<0.000000e+00> : vector<640xf32>
    %reduce_sum3A_296 = vector.multi_reduction <add>, %mul3A_294, %reduce_sum3A_295 [1] : vector<640x128xf32> to vector<640xf32>
    %broadcast_in_dim3A_297 = vector.shape_cast %reduce_sum3A_296 : vector<640xf32> to vector<640x1xf32>
    %div3A_298 = arith.constant 1.280000e+02 : f32
    %div3A_299 = vector.broadcast %div3A_298 : f32 to vector<640x1xf32>
    %div3A_300 = arith.divf %broadcast_in_dim3A_297, %div3A_299 : vector<640x1xf32>
    %sub3A_301 = vector.broadcast %div3A_289 : vector<640x1xf32> to vector<640x128xf32>
    %sub3A_302 = arith.subf %add3A_284, %sub3A_301 : vector<640x128xf32>
    %add3A_303 = arith.constant 9.99999974E-6 : f32
    %add3A_304 = vector.broadcast %add3A_303 : f32 to vector<640x1xf32>
    %add3A_305 = arith.addf %div3A_300, %add3A_304 : vector<640x1xf32>
    %sqrt3A = math.sqrt %add3A_305 : vector<640x1xf32>
    %div3A_306 = vector.broadcast %sqrt3A : vector<640x1xf32> to vector<640x128xf32>
    %div3A_307 = arith.divf %sub3A_302, %div3A_306 : vector<640x128xf32>
    %get3A_308 = arith.constant 0 : index
    %get3A_309 = arith.constant 0 : index
    %get3A_310 = vector.load %arg13[%get3A_308, %get3A_309] : memref<1x128xf32, #tpu.memory_space<vmem>>, vector<1x128xf32>
    %get3A_311 = vector.shape_cast %get3A_310 : vector<1x128xf32> to vector<128xf32>
    %broadcast_in_dim3A_312 = vector.shape_cast %get3A_311 : vector<128xf32> to vector<1x128xf32>
    %mul3A_313 = vector.broadcast %broadcast_in_dim3A_312 : vector<1x128xf32> to vector<640x128xf32>
    %mul3A_314 = arith.mulf %div3A_307, %mul3A_313 : vector<640x128xf32>
    %get3A_315 = arith.constant 0 : index
    %get3A_316 = arith.constant 0 : index
    %get3A_317 = vector.load %arg14[%get3A_315, %get3A_316] : memref<1x128xf32, #tpu.memory_space<vmem>>, vector<1x128xf32>
    %get3A_318 = vector.shape_cast %get3A_317 : vector<1x128xf32> to vector<128xf32>
    %broadcast_in_dim3A_319 = vector.shape_cast %get3A_318 : vector<128xf32> to vector<1x128xf32>
    %add3A_320 = vector.broadcast %broadcast_in_dim3A_319 : vector<1x128xf32> to vector<640x128xf32>
    %add3A_321 = arith.addf %mul3A_314, %add3A_320 : vector<640x128xf32>
    %get3A_322 = arith.constant 0 : index
    %get3A_323 = arith.constant 0 : index
    %get3A_324 = vector.load %arg15[%get3A_322, %get3A_323] : memref<128x512xf32, #tpu.memory_space<vmem>>, vector<128x512xf32>
    %dot_general3A_325 = arith.constant dense<0.000000e+00> : vector<640x512xf32>
    %dot_general3A_326 = tpu.matmul %add3A_321, %get3A_324, %dot_general3A_325 {dimension_numbers = #tpu.dot_dimension_numbers<[1], [0], [0], [1], [0, 0, 1, 1], [], []>, transpose_lhs_hint = false} : vector<640x128xf32>, vector<128x512xf32>, vector<640x512xf32> -> vector<640x512xf32>
    %get3A_327 = arith.constant 0 : index
    %get3A_328 = arith.constant 0 : index
    %get3A_329 = vector.load %arg16[%get3A_327, %get3A_328] : memref<1x512xf32, #tpu.memory_space<vmem>>, vector<1x512xf32>
    %get3A_330 = vector.shape_cast %get3A_329 : vector<1x512xf32> to vector<512xf32>
    %broadcast_in_dim3A_331 = vector.shape_cast %get3A_330 : vector<512xf32> to vector<1x512xf32>
    %add3A_332 = vector.broadcast %broadcast_in_dim3A_331 : vector<1x512xf32> to vector<640x512xf32>
    %add3A_333 = arith.addf %dot_general3A_326, %add3A_332 : vector<640x512xf32>
    %max3A = arith.constant 0.000000e+00 : f32
    %max3A_334 = vector.broadcast %max3A : f32 to vector<640x512xf32>
    %max3A_335 = arith.maximumf %add3A_333, %max3A_334 : vector<640x512xf32>
    %get3A_336 = arith.constant 0 : index
    %get3A_337 = arith.constant 0 : index
    %get3A_338 = vector.load %arg17[%get3A_336, %get3A_337] : memref<512x128xf32, #tpu.memory_space<vmem>>, vector<512x128xf32>
    %dot_general3A_339 = arith.constant dense<0.000000e+00> : vector<640x128xf32>
    %dot_general3A_340 = tpu.matmul %max3A_335, %get3A_338, %dot_general3A_339 {dimension_numbers = #tpu.dot_dimension_numbers<[1], [0], [0], [1], [0, 0, 1, 1], [], []>, transpose_lhs_hint = false} : vector<640x512xf32>, vector<512x128xf32>, vector<640x128xf32> -> vector<640x128xf32>
    %get3A_341 = arith.constant 0 : index
    %get3A_342 = arith.constant 0 : index
    %get3A_343 = vector.load %arg18[%get3A_341, %get3A_342] : memref<1x128xf32, #tpu.memory_space<vmem>>, vector<1x128xf32>
    %get3A_344 = vector.shape_cast %get3A_343 : vector<1x128xf32> to vector<128xf32>
    %broadcast_in_dim3A_345 = vector.shape_cast %get3A_344 : vector<128xf32> to vector<1x128xf32>
    %add3A_346 = vector.broadcast %broadcast_in_dim3A_345 : vector<1x128xf32> to vector<640x128xf32>
    %add3A_347 = arith.addf %dot_general3A_340, %add3A_346 : vector<640x128xf32>
    %add3A_348 = arith.addf %add3A_284, %add3A_347 : vector<640x128xf32>
    %swap3A = arith.constant 0 : index
    %swap3A_349 = arith.constant 0 : index
    %swap3A_350 = vector.load %arg19[%swap3A, %swap3A_349] : memref<640x128xf32, #tpu.memory_space<vmem>>, vector<640x128xf32>
    tpu.vector_store %arg19[%swap3A, %swap3A_349], %add3A_348 {strides = array<i32>} : memref<640x128xf32, #tpu.memory_space<vmem>>, vector<640x128xf32>,
    return
  }
  func.func @transform_0(%arg0: i32) -> (i32, i32) {
    %c0_i32 = arith.constant 0 : i32
    %c0_i32_0 = arith.constant 0 : i32
    return %arg0, %c0_i32 : i32, i32
  }
  func.func @transform_1(%arg0: i32) -> (i32, i32) {
    %c0_i32 = arith.constant 0 : i32
    %c0_i32_0 = arith.constant 0 : i32
    return %arg0, %c0_i32 : i32, i32
  }
  func.func @transform_2(%arg0: i32) -> (i32, i32) {
    %c0_i32 = arith.constant 0 : i32
    %c0_i32_0 = arith.constant 0 : i32
    %c0_i32_1 = arith.constant 0 : i32
    return %c0_i32, %c0_i32_0 : i32, i32
  }
  func.func @transform_3(%arg0: i32) -> (i32, i32) {
    %c0_i32 = arith.constant 0 : i32
    %c0_i32_0 = arith.constant 0 : i32
    %c0_i32_1 = arith.constant 0 : i32
    return %c0_i32, %c0_i32_0 : i32, i32
  }
  func.func @transform_4(%arg0: i32) -> (i32, i32) {
    %c0_i32 = arith.constant 0 : i32
    %c0_i32_0 = arith.constant 0 : i32
    %c0_i32_1 = arith.constant 0 : i32
    return %c0_i32, %c0_i32_0 : i32, i32
  }
  func.func @transform_5(%arg0: i32) -> (i32, i32) {
    %c0_i32 = arith.constant 0 : i32
    %c0_i32_0 = arith.constant 0 : i32
    %c0_i32_1 = arith.constant 0 : i32
    return %c0_i32, %c0_i32_0 : i32, i32
  }
  func.func @transform_6(%arg0: i32) -> (i32, i32) {
    %c0_i32 = arith.constant 0 : i32
    %c0_i32_0 = arith.constant 0 : i32
    %c0_i32_1 = arith.constant 0 : i32
    return %c0_i32, %c0_i32_0 : i32, i32
  }
  func.func @transform_7(%arg0: i32) -> (i32, i32) {
    %c0_i32 = arith.constant 0 : i32
    %c0_i32_0 = arith.constant 0 : i32
    %c0_i32_1 = arith.constant 0 : i32
    return %c0_i32, %c0_i32_0 : i32, i32
  }
  func.func @transform_8(%arg0: i32) -> (i32, i32) {
    %c0_i32 = arith.constant 0 : i32
    %c0_i32_0 = arith.constant 0 : i32
    %c0_i32_1 = arith.constant 0 : i32
    return %c0_i32, %c0_i32_0 : i32, i32
  }
  func.func @transform_9(%arg0: i32) -> (i32, i32) {
    %c0_i32 = arith.constant 0 : i32
    %c0_i32_0 = arith.constant 0 : i32
    %c0_i32_1 = arith.constant 0 : i32
    return %c0_i32, %c0_i32_0 : i32, i32
  }
  func.func @transform_10(%arg0: i32) -> (i32, i32) {
    %c0_i32 = arith.constant 0 : i32
    %c0_i32_0 = arith.constant 0 : i32
    %c0_i32_1 = arith.constant 0 : i32
    return %c0_i32, %c0_i32_0 : i32, i32
  }
  func.func @transform_11(%arg0: i32) -> (i32, i32) {
    %c0_i32 = arith.constant 0 : i32
    %c0_i32_0 = arith.constant 0 : i32
    %c0_i32_1 = arith.constant 0 : i32
    return %c0_i32, %c0_i32_0 : i32, i32
  }
  func.func @transform_12(%arg0: i32) -> (i32, i32) {
    %c0_i32 = arith.constant 0 : i32
    %c0_i32_0 = arith.constant 0 : i32
    %c0_i32_1 = arith.constant 0 : i32
    return %c0_i32, %c0_i32_0 : i32, i32
  }
  func.func @transform_13(%arg0: i32) -> (i32, i32) {
    %c0_i32 = arith.constant 0 : i32
    %c0_i32_0 = arith.constant 0 : i32
    %c0_i32_1 = arith.constant 0 : i32
    return %c0_i32, %c0_i32_0 : i32, i32
  }
  func.func @transform_14(%arg0: i32) -> (i32, i32) {
    %c0_i32 = arith.constant 0 : i32
    %c0_i32_0 = arith.constant 0 : i32
    %c0_i32_1 = arith.constant 0 : i32
    return %c0_i32, %c0_i32_0 : i32, i32
  }
  func.func @transform_15(%arg0: i32) -> (i32, i32) {
    %c0_i32 = arith.constant 0 : i32
    %c0_i32_0 = arith.constant 0 : i32
    %c0_i32_1 = arith.constant 0 : i32
    return %c0_i32, %c0_i32_0 : i32, i32
  }
  func.func @transform_16(%arg0: i32) -> (i32, i32) {
    %c0_i32 = arith.constant 0 : i32
    %c0_i32_0 = arith.constant 0 : i32
    %c0_i32_1 = arith.constant 0 : i32
    return %c0_i32, %c0_i32_0 : i32, i32
  }
  func.func @transform_17(%arg0: i32) -> (i32, i32) {
    %c0_i32 = arith.constant 0 : i32
    %c0_i32_0 = arith.constant 0 : i32
    %c0_i32_1 = arith.constant 0 : i32
    return %c0_i32, %c0_i32_0 : i32, i32
  }
  func.func @transform_18(%arg0: i32) -> (i32, i32) {
    %c0_i32 = arith.constant 0 : i32
    %c0_i32_0 = arith.constant 0 : i32
    return %arg0, %c0_i32 : i32, i32
  }
}

</mosaic_0001>

<sc_bundles>
// kernel: scatter_offload_async_start
scs
__scs_entry_jumppad:
0x0: {  	(pc) =	sbr.rel $0x88, $3  }
0x1: {  	(tag) =	ssettag $0x0;
	lr =	simm.s32 $0x1  }
0x2: {  	[smem:$0x3F89] =	sst lr;
	_ =	strace $0xD0000000  }
0x3: {  	_ = 	snop  }
0x4: {  	_ = 	snop  }
0x5: {  	_ = 	snop  }
0x6: {  	_ = 	snop  }
0x7: {  	_ = 	snop  }
__scs_overlays_trampoline_lowered:
0x8: {  	[smem:$0x3F98] =	sst s0  }
0x9: {  	[smem:$0x3F99] =	sst s1  }
0xa: {  	[smem:$0x3F9A] =	sst s2  }
0xb: {  	[smem:$0x3F9B] =	sst s3  }
0xc: {  	[smem:$0x3F9C] =	sst s4  }
0xd: {  	[smem:$0x3F9D] =	sst s5  }
0xe: {  	[smem:$0x3F9E] =	sst s6  }
0xf: {  	[smem:$0x3F9F] =	sst s7  }
0x10: {  	[smem:$0x3FA0] =	sst s8  }
0x11: {  	[smem:$0x3FA1] =	sst s9;
	s0 =	simm.s32 @!p0 $0x0  }
0x12: {  	s1 =	sld [smem:$0x3F87];
	s0 =	simm.s32 @p0 $0x1  }
0x13: {  	[smem:$0x3FA2] =	sst s0;
	s0 =	simm.s32 @!p1 $0x0  }
0x14: {  	s2 =	sld [smem:$0x3F86];
	s0 =	simm.s32 @p1 $0x1  }
0x15: {  	[smem:$0x3FA3] =	sst s0;
	s0 =	simm.s32 @!p2 $0x0  }
0x16: {  	s3 =	sld [smem:$0x3FDB];
	s0 =	simm.s32 @p2 $0x1  }
0x17: {  	s4 =	simm.s32 $0x1BF5;
	[smem:$0x3FA5] =	sst s0  }
0x18: {  	s0 =	sld [smem:$0x3F88];
	_ =	swait.ge [sflag:s4], $0x0  }
0x19: {  	s7 =	sld [smem:$0x3F89]  }
0x1a: {  	s8 =	sadd.s32 $0xFFFFE003, lr  }
0x1b: {  	s9 =	sadd.s32 $0xFFFFFEF7, lr;
	s5 =	simm.s32 $0xFFFFFFFF;
	p2 =	slt.u32 s8, $0xFFFFF086  }
0x1c: {  	p1 =	slt.u32 s9, $0xF7A;
	s5 =	simm.s32 @!p2 $0x0  }
0x1d: {  	s5 =	simm.s32 @p1 $0x1;
	p0 =	seq.s32 s7, s2  }
0x1e: {  	s7 =	smul.u32 @!p0 $0xF7A, s2;
	p2 =	seq.s32 @!p0 s5, $0x0  }
0x1f: {  	s9 =	smul.u32 $0xF7A, s1;
	s8 =	simm.s32 @!p0 $0x1BF5;
	p2 =	por !p2, p0  }
0x20: {  	[sflag:s8] =	ssyncset.s32 @!p0 $0xFFFFF086;
	s6 =	sadd.s32 @!p0 s3, s7;
	s7 =	simm.s32 @!p0 $0x108  }
0x21: {  	s3 =	sadd.s32 s3, s9;
	s6 =	sadd.s32 @!p0 $0x88, s6;
	s7 =	simm.s32 @p2 $0x1082  }
0x22: {  	[simem:s7], [sflag:s8] =	dma.local @!p0 [hbm:s6], $0xF7A  }
0x23: {  	s9 =	sor.u32 $0xD0000000, s2;
	s6 =	simm.s32 $0x108;
	_ =	swait.ge @!p0 [sflag:s8], $0x0  }
0x24: {  	s3 =	sadd.s32 $0x88, s3;
	s6 =	simm.s32 @!p1 $0x1082;
	[sflag:s4] =	ssyncset.s32 $0xFFFFF086  }
0x25: {  	[simem:s6], [sflag:s4] =	dma.local [hbm:s3], $0xF7A  }
0x26: {  	[smem:$0x3F89] =	sst s1;
	(tag) =	ssettag s2;
	_ =	strace s9  }
0x27: {  	s1 =	sld [smem:$0x3F99]  }
0x28: {  	s2 =	sld [smem:$0x3F9A]  }
0x29: {  	s4 =	sld [smem:$0x3F9C]  }
0x2a: {  	p0 =	seq.s32 s5, $0x0;
	s5 =	sld [smem:$0x3F9D]  }
0x2b: {  	s6 =	sld [smem:$0x3F9E]  }
0x2c: {  	s7 =	sld [smem:$0x3F9F]  }
0x2d: {  	s3 =	simm.s32 $0x108;
	s8 =	sld [smem:$0x3FA0]  }
0x2e: {  	s3 =	simm.s32 @!p0 $0x1082;
	s9 =	sld [smem:$0x3FA1]  }
0x2f: {  	lr =	sadd.s32 s0, s3;
	s0 =	sld [smem:$0x3F98]  }
0x30: {  	s3 =	sld [smem:$0x3F9B]  }
0x31: {  	[smem:$0x3FA4] =	sst s10  }
0x32: {  	s10 =	sld [smem:$0x3FA2];
	_ =	sdelay $0x3  }
0x33: {  	p0 =	seq.s32 s10, $0x1;
	s10 =	sld [smem:$0x3FA4];
	_ =	sdelay $0x3  }
0x34: {  	[smem:$0x3FA4] =	sst s10  }
0x35: {  	s10 =	sld [smem:$0x3FA3];
	_ =	sdelay $0x3  }
0x36: {  	p1 =	seq.s32 s10, $0x1;
	s10 =	sld [smem:$0x3FA4];
	_ =	sdelay $0x3  }
0x37: {  	[smem:$0x3FA4] =	sst s10  }
0x38: {  	s10 =	sld [smem:$0x3FA5]  }
0x39: {  	_ = 	snop;
	(pc) =	sbr.ind lr, $3  }
0x3a: {  	_ = 	snop  }
0x3b: {  	_ = 	snop  }
0x3c: {  	p2 =	seq.s32 s10, $0x1;
	s10 =	sld [smem:$0x3FA4]  }
0x3d: {  	_ =	shalt  }
0x3e: {  	_ =	shalt  }
0x3f: {  	_ =	shalt  }
0x40: {  	_ =	shalt  }
0x41: {  	_ =	shalt  }
0x42: {  	_ =	shalt  }
0x43: {  	_ =	shalt  }
0x44: {  	_ =	shalt  }
0x45: {  	_ =	shalt  }
0x46: {  	_ =	shalt  }
0x47: {  	_ =	shalt  }
0x48: {  	_ =	shalt  }
0x49: {  	_ =	shalt  }
0x4a: {  	_ =	shalt  }
0x4b: {  	_ =	shalt  }
0x4c: {  	_ =	shalt  }
0x4d: {  	_ =	shalt  }
0x4e: {  	_ =	shalt  }
0x4f: {  	_ =	shalt  }
0x50: {  	_ =	shalt  }
0x51: {  	_ =	shalt  }
0x52: {  	_ =	shalt  }
0x53: {  	_ =	shalt  }
0x54: {  	_ =	shalt  }
0x55: {  	_ =	shalt  }
0x56: {  	_ =	shalt  }
0x57: {  	_ =	shalt  }
0x58: {  	_ =	shalt  }
0x59: {  	_ =	shalt  }
0x5a: {  	_ =	shalt  }
0x5b: {  	_ =	shalt  }
0x5c: {  	_ =	shalt  }
0x5d: {  	_ =	shalt  }
0x5e: {  	_ =	shalt  }
0x5f: {  	_ =	shalt  }
0x60: {  	_ =	shalt  }
0x61: {  	_ =	shalt  }
0x62: {  	_ =	shalt  }
0x63: {  	_ =	shalt  }
0x64: {  	_ =	shalt  }
0x65: {  	_ =	shalt  }
0x66: {  	_ =	shalt  }
0x67: {  	_ =	shalt  }
0x68: {  	_ =	shalt  }
0x69: {  	_ =	shalt  }
0x6a: {  	_ =	shalt  }
0x6b: {  	_ =	shalt  }
0x6c: {  	_ =	shalt  }
0x6d: {  	_ =	shalt  }
0x6e: {  	_ =	shalt  }
0x6f: {  	_ =	shalt  }
0x70: {  	_ =	shalt  }
0x71: {  	_ =	shalt  }
0x72: {  	_ =	shalt  }
0x73: {  	_ =	shalt  }
0x74: {  	_ =	shalt  }
0x75: {  	_ =	shalt  }
0x76: {  	_ =	shalt  }
0x77: {  	_ =	shalt  }
0x78: {  	_ =	shalt  }
0x79: {  	_ =	shalt  }
0x7a: {  	_ =	shalt  }
0x7b: {  	_ =	shalt  }
0x7c: {  	_ =	shalt  }
0x7d: {  	_ =	shalt  }
0x7e: {  	_ =	shalt  }
0x7f: {  	_ =	shalt  }
0x80: {  	_ =	shalt  }
0x81: {  	_ =	shalt  }
0x82: {  	_ =	shalt  }
0x83: {  	_ =	shalt  }
0x84: {  	_ =	shalt  }
0x85: {  	_ =	shalt  }
0x86: {  	_ =	shalt  }
0x87: {  	_ =	shalt  }
.Lfunc_end0:
.L_simem_size_0:
called_computation_lowered:
.L_overlay_start_0:
0x88: {  	s0 =	sld [smem:$0x3FD9]  }
0x89: {  	s1 =	sld [smem:$0x3FFE];
	_ =	sdelay $0x3  }
0x8a: {  	s0 =	sadd.s32 s1, s0  }
0x8b: {  	[smem:$0x3FB0] =	sst s0  }
0x8c: {  	_ = 	snop  }
0x8d: {  	s0 =	sld [smem:$0x3FD0];
	(tm) =	ssettm $0x1  }
0x8e: {  	s16 =	sld [smem:$0x3FFB];
	_ =	sdelay $0x3  }
0x8f: {  	_ =	strace s16  }
0x90: {  	s1 =	sld [smem:$0x3FFC];
	_ =	sdelay $0x3  }
0x91: {  	_ =	strace s1  }
0x92: {  	s1 =	sld [smem:$0x3FFD];
	_ =	sdelay $0x3  }
0x93: {  	_ =	strace s1  }
0x94: {  	_ =	strace $0x8FFFFFFF  }
0x95: {  	s17 =	sld [smem:$0x3FDB];
	_ =	sdelay $0x1  }
0x96: {  	s2 =	simm.s32 $_scs_section_size  }
0x97: {  	s3 =	simm.s32 $_size__tile_overlayer_lowered;
	s4 =	simm.s32 $_tile_overlayer_lowered  }
0x98: {  	s20 =	simm.s32 $0x1BFF;
	s19 =	sshll.u32 s4, $0x1;
	s1 =	sadd.s32 s2, s17  }
0x99: {  	s5 =	simm.s32 $0x0;
	s18 =	sshll.u32 s3, $0x1;
	s3 =	sadd.s32 s19, s1  }
0x9a: {  	[timem:s5], [sflag:s20] =	dma.local [hbm:s3], s18  }
0x9b: {  	_ =	swait.ge [sflag:s20], s18  }
0x9c: {  	s2 =	ssub.s32 $0x0, s18;
	[sflag:s20] =	ssyncset.done $0x0  }
0x9d: {  	[sflag:s20] =	ssyncadd.s32 s2;
	_ =	sdelay $0x1  }
0x9e: {  	s21 =	simm.s32 $0x1B8B  }
0x9f: {  	_ =	swait.ge [sflag:s21], $0x1  }
0xa0: {  	[sflag:s21] =	ssyncset.done $0x0  }
0xa1: {  	s23 =	simm.s32 $0x1B8E;
	s22 =	sld [smem:$0x3FFE];
	[sflag:s21] =	ssyncadd.s32 $0xFFFFFFFF  }
0xa2: {  	s24 =	simm.s32 $execute0_lowered;
	[smem:$0x3FD2] =	sst s23  }
0xa3: {  	s3 =	sshll.u32 s24, $0x1;
	_ =	strace $0x80000046;
	[dreg:$0x1] =	wrdreg $0xFFFFFFFF  }
0xa4: {  	s25 =	simm.s32 $_size_execute0_lowered;
	s1 =	sadd.s32 s1, s3;
	[dreg:$0x0] =	wrdreg $0x0  }
0xa5: {  	s3 =	sshll.u32 s25, $0x1;
	[dreg:$0x2] =	wrdreg s1  }
0xa6: {  	[dreg:$0x3] =	wrdreg s3  }
0xa7: {  	[dreg:$0x4] =	wrdreg $0xC0  }
0xa8: {  	_ =	task [dreg:s5], $0x5FFFF  }
0xa9: {  	[dreg:$0x1] =	wrdreg $0xFFFFFFFF  }
0xaa: {  	[dreg:$0x0] =	wrdreg $0x60  }
0xab: {  	[dreg:$0x2] =	wrdreg s22  }
0xac: {  	[dreg:$0x3] =	wrdreg s0  }
0xad: {  	[dreg:$0x4] =	wrdreg $0x9  }
0xae: {  	_ =	task.clear_ibuf [dreg:s5], $0x5FFFF;
	_ =	strace $0x90000046  }
0xaf: {  	s26 =	simm.s32 $0x9;
	_ =	strace $0x80000048  }
0xb0: {  	_ =	swait.ge [sflag:s26], $0x1  }
0xb1: {  	[sflag:s26] =	ssyncadd.s32 $0xFFFFFFFF  }
0xb2: {  	_ =	strace $0x90000048  }
0xb3: {  	_ =	sfence  }
0xb4: {  	s28 =	sld [smem:$0x0];
	_ =	sdelay $0x1  }
0xb5: {  	s29 =	srdreg.scid  }
0xb6: {  	s30 =	sshll.u32 s29, $0xD;
	s31 =	sshrl.u32 s29, $0x2  }
0xb7: {  	s2 =	sand.u32 $0x4000, s30;
	s1 =	sand.u32 $0x1, s29;
	s0 =	sadd.s32 s31, s28  }
0xb8: {  	s1 =	sor.u32 s2, s1;
	s0 =	sshll.u32 s0, $0x11  }
0xb9: {  	s0 =	sor.u32 s0, s1  }
0xba: {  	s0 =	sadd.s32 $0x8F2B, s0  }
0xbb: {  	[sflag:s0] =	ssyncadd.remote.s32 $0x1  }
0xbc: {  	_ =	sfence.sel $0xFFFF  }
0xbd: {  	[dreg:$0x0] =	wrdreg $0xFFFFFFFF;
	(pc) =	sbr.abs _section_cstart, $3  }
0xbe: {  	[dreg:$0x1] =	wrdreg $0xFFFFFFFF  }
0xbf: {  	_ =	task.clear_ibuf [dreg:s5], $0x2FFFF;
	_ =	strace $0x9FFFFFFF  }
0xc0: {  	(tm) =	ssettm $0x7FFFFFFF  }
0xc1: {  	_ =	shalt  }
tec
execute0_lowered:
.L_overlay_start_1:
0x0: {  	(tag) =	ssettag $0x1  }
0x1: {  	s0 =	rddreg [dreg:$0x0]  }
0x2: {  	s3 =	rddreg [dreg:$0x1];
	_ =	strace $0x80000047;
	s14 =	stileid.u32  }
0x3: {  	s2 =	simm.s32 $0x1;
	s1 =	smin.u32 s14, $0xB;
	s4 =	sshll.u32 s14, $0x2  }
0x4: {  	v1 =	vimm.s32 $0xFFFFFFFF;
	[sflag:s2] =	ssyncpa.u1 $0x0;
	s1 =	sadd.s32 s1, s4  }
0x5: {  	p0 =	slt.u32 s14, $0xB;
	[tilespmem:$0x10] =	vst v1;
	s4 =	smul.u32 $0x1F40, s1;
	s1 =	simm.s32 $0x9C40  }
0x6: {  	v0 =	vimm.f32 $0.0e+00;
	[tilespmem:$0x20] =	vst v1;
	s1 =	simm.s32 @!p0 $0x7D00  }
0x7: {  	[tilespmem:$0x30] =	vst v0;
	s1 =	sadd.s32 s1, s4  }
0x8: {  	[tilespmem:$0x40] =	vst v0;
	s5 =	smin.u32 s1, $0x927C0  }
0x9: {  	[tilespmem:$0x50] =	vst v0;
	s9 =	ssub.s32 s5, s4  }
0xa: {  	s7 =	simm.s32 $0x2;
	[tilespmem:$0x60] =	vst v1;
	p0 =	sgt.s32 s9, $0x0  }
0xb: {  	s8 =	simm.s32 $0x8;
	s31 =	simm.s32 $0x9;
	[tilespmem:$0x70] =	vst v1;
	s9 =	simm.s32 @!p0 $0x0  }
0xc: {  	s16 =	simm.s32 $0x0;
	s17 =	simm.s32 $0xF0;
	[tilespmem:$0x80] =	vst v1;
	s30 =	smulhi.u32 $0x10624DD3, s9  }
0xd: {  	s18 =	simm.s32 $0xFFFFFFFF;
	s19 =	simm.s32 $0xFFFFC280;
	s20 =	simm.s32 $0xFFFFFFFE;
	v1 =	vimm.s32 $0x0;
	[tilespmem:$0xB0] =	vst v0  }
0xe: {  	s21 =	simm.s32 $0xF;
	s25 =	simm.s32 $0x0;
	[tilespmem:$0x90] =	vst v1;
	s10 =	sshrl.u32 s30, $0x9  }
0xf: {  	[tilespmem:$0xA0] =	vst v1;
	[sflag:s7] =	ssyncpa.u1 $0x0;
	s7 =	simm.s32 $0x7;
	s11 =	smul.u32 $0x1F40, s10  }
0x10: {  	s24 =	simm.s32 $0x0;
	s6 =	sadd.s32 $0x2800, s0;
	[sflag:s7] =	ssyncpa.u1 $0x0  }
.Ltmp0:
0x11: {  	[sflag:s8] =	ssyncpa.u1 $0x0;
	p0 =	sne.s32 s9, s11;
	(pc) =	sbr.rel .LBB2_1-.Ltmp0, $4  }
0x12: {  	s23 =	smov.u32 s4;
	s1 =	sadd.s32 $0x18E00, s0;
	s2 =	simm.s32 @!p0 $0x0  }
0x13: {  	[sflag:s31] =	ssyncpa.u1 $0x0;
	p0 =	por $0x0, $0x0;
	s9 =	sadd.s32 s2, s10  }
0x14: {  	vm0 =	vmmov $0xffff;
	v2 =	vlaneseq.u32;
	s10 =	sshll.u32 s14, $0x1;
	s14 =	sshllo.u32 s14, $0x1;
	s11 =	sadd.s32 $0x1, s9  }
0x15: {  	vm1 =	vmxor vm1, vm1;
	vm2 =	vmmov $0x1;
	vm3 =	vcmask $0x3F3C;
	s12 =	sadd.s32 $0x2, s9;
	s13 =	sor.u32 $0x81, s10;
	s15 =	sor.u32 $0x80, s10  }
.LBB2_9:
0x16: {  	p1 =	slt.u32 s24, $0x3  }
0x17: {  	s0 =	simm.s32 @!p1 $0x2  }
0x18: {  	_ =	swait.ge @!p1 [sflag:s0], $0x1F40  }
0x19: {  	[sflag:s0] =	ssyncset.done @!p1 $0x0  }
0x1a: {  	[sflag:s0] =	ssyncadd.s32 @!p1 $0xFFFFE0C0;
	s0 =	simm.s32 @!p1 $0x9  }
0x1b: {  	_ =	swait.ge @!p1 [sflag:s0], $0x10  }
0x1c: {  	[sflag:s0] =	ssyncset.done @!p1 $0x0  }
0x1d: {  	[sflag:s0] =	ssyncadd.s32 @!p1 $0xFFFFFFF0;
	p1 =	sne.s32 s24, s12  }
.Ltmp1:
0x1e: {  	s2 =	sadd.s32 $0x1F40, s23;
	(pc) =	sbr.rel @!p1 .LBB2_10-.Ltmp1, $4  }
0x1f: {  	s22 =	smov.u32 s4;
	s31 =	sadd.s32 $0x1, s24;
	s17 =	sadd.s32 $0x1F40, s17  }
0x20: {  	s18 =	sadd.s32 $0x1, s18;
	s25 =	smov.u32 s23;
	p2 =	slt.s32 s2, s5  }
0x21: {  	p0 =	por !p0, !p0;
	s19 =	sadd.s32 $0x1F40, s19;
	s22 =	smov.u32 @p2 s2  }
0x22: {  	s20 =	sadd.s32 $0x1, s20;
	s23 =	smov.u32 s22;
	s24 =	smov.u32 s31  }
.LBB2_1:
0x23: {  	p1 =	sge.u32 s24, s9  }
0x24: {  	s0 =	smulhi.u32 @!p1 $0xAAAAAAAB, s24;
	_ =	sdelay $0x1  }
0x25: {  	s0 =	sshrl.u32 @!p1 s0, $0x1  }
0x26: {  	s0 =	smul.u32 @!p1 $0x3, s0;
	_ =	sdelay $0x1  }
0x27: {  	s0 =	ssub.s32 @!p1 s24, s0  }
0x28: {  	s0 =	smul.u32 @!p1 $0x7D00, s0;
	_ =	sdelay $0x1  }
0x29: {  	s2 =	sshrl.u32 @!p1 s23, $0x3;
	s0 =	sshrl.u32 @!p1 s0, $0x2  }
0x2a: {  	s22 =	sand.u32 @!p1 $0x7, s23;
	s2 =	sadd.s32 @!p1 s3, s2;
	s0 =	sadd.s32 @!p1 $0x100, s0  }
0x2b: {  	[tilespmem:s0], [sflag:$0x7] =	stream.linear.gather @!p1 [hbm4b:s2+s22], $0x1F40, $0x38;
	[tilespmem:$0x11A60] =	vst v63  }
0x2c: {  	s0 =	sadd.s32 $0xFFFFFFFF, s24  }
0x2d: {  	p1 =	sge.u32 s0, s9  }
.Ltmp2:
0x2e: {  	_ = 	snop;
	(pc) =	sbr.rel @p1 .LBB2_5-.Ltmp2, $1  }
0x2f: {  	_ =	sdelay $0x3  }
0x30: {  	s2 =	smulhi.u32 $0xAAAAAAAB, s0;
	_ =	sdelay $0x1  }
0x31: {  	s2 =	sshrl.u32 s2, $0x1  }
0x32: {  	s2 =	smul.u32 $0x3, s2;
	_ =	sdelay $0x1  }
0x33: {  	s2 =	ssub.s32 s0, s2  }
0x34: {  	s2 =	smul.u32 $0x7D00, s2  }
0x35: {  	_ =	swait.ge [sflag:s7], $0x1F40  }
0x36: {  	[sflag:s7] =	ssyncset.done $0x0;
	s2 =	sshrl.u32 s2, $0x2  }
0x37: {  	[sflag:s7] =	ssyncadd.s32 $0xFFFFE0C0;
	(ifvalue) =	ssetifvalue $0xFFFFFFFF;
	v3 =	vld.msk [tilespmem:s2+$0x100 ss:$0x1], $0xffff;
	_ =	sdelay $0x2  }
0x38: {  	s30 =	smulhi.u32 $0xAAAAAAAB, s18;
	p1 =	sne.s32 s24, $0x1  }
0x39: {  	v4 =	vimm.s32 @!p1 $0x0  }
0x3a: {  	s2 =	sshrl.u32 s30, $0x1;
	v4 =	vperm.xlane @!p1 v3, v4  }
0x3b: {  	s22 =	sshll.u32 s24, $0x4;
	s2 =	smul.u32 $0xFFFE8900, s2;
	vm4 =	vlt.u32 v3, $0x4E20000  }
0x3c: {  	s22 =	sand.u32 $0x10, s22;
	v3 =	vnsel vm4, $0xFFFFFFFE, v3;
	vm4 =	vlt.u32 @!p1 v4, $0x4E20000  }
0x3d: {  	s2 =	sshra.s32 s2, $0x2;
	[tilespmem:s22+$0x60] =	vst v3;
	v3 =	vnsel @!p1 vm4, $0xFFFFFFFE, v4  }
0x3e: {  	s28 =	sadd.s32 s2, s17;
	[tilespmem:$0x80] =	vst @!p1 v3  }
0x3f: {  	v3 =	vld.msk [tilespmem:s28+$0x0 ss:$0x1], $0xffff;
	_ =	sdelay $0x4  }
0x40: {  	(xrf1) =	vunique.msk.u32 $0xffff, v3;
	_ =	sdelay $0xd  }
0x41: {  	v4 =	vimm.s32 $0xFFFFFFFF;
	v5, _, _ =	vpop (xrf1)  }
0x42: {  	vm5 =	vne.s32 v3, v4;
	vm4 =	veq.s32 v5, v2  }
0x43: {  	vm6 =	vlt.u32 v3, $0x4E20000;
	vm4 =	vmand vm5, vm4  }
0x44: {  	vm4 =	vmand vm6, vm4  }
0x45: {  	v4 =	vnsel vm4, $0xFFFFFFFF, v3  }
0x46: {  	s31 =	sand.u32 $0x1, s0  }
0x47: {  	s0 =	simm.s32 $0x1F40;
	p1 =	seq.s32 s31, $0x1  }
0x48: {  	s0 =	simm.s32 @!p1 $0x0  }
0x49: {  	s26 =	sadd.s32 $0x7DF0, s0;
	(ifvalue) =	ssetifvalue $0xFFFFFFFF  }
0x4a: {  	v3 =	vperm.xlane v3, v1;
	[tilespmem:s26], [sflag:$0x8] =	stream.indirect_vreg.gather [hbm4b:s1+s16], $0x1, v4, vm0, $0x4038;
	v4 =	vnsel vm6, $0xFFFFFFFE, v4;
	[tilespmem:$0x11A60] =	vst v63  }
0x4b: {  	s2 =	simm.s32 $0x0;
	s22 =	sadd.s32 $0xFFFFFFF0, s28;
	[tilespmem:s28+$0x0] =	vst v4  }
.LBB2_3:
0x4c: {  	v4 =	vld.msk [tilespmem:s22+$0x0 ss:$0x1], $0xffff;
	s2 =	sadd.s32 $0x10, s2;
	v5 =	vmov v3;
	s28 =	smov.u32 s22  }
0x4d: {  	p1 =	slt.u32 s2, $0x1F30;
	_ =	sdelay $0x4  }
0x4e: {  	v3 =	vperm.xlane v4, v1;
	(xrf1) =	vunique.msk.u32 $0xffff, v4;
	_ =	sdelay $0xd  }
0x4f: {  	v6, _, _ =	vpop (xrf1)  }
0x50: {  	vm5 =	vne.s32 v4, v5;
	vm4 =	veq.s32 v6, v2  }
0x51: {  	vm6 =	vlt.u32 v4, $0x4E20000;
	vm4 =	vmand vm5, vm4  }
0x52: {  	vm4 =	vmand vm6, vm4  }
0x53: {  	v4 =	vnsel vm4, $0xFFFFFFFF, v4  }
.Ltmp3:
0x54: {  	v5 =	vnsel vm6, $0xFFFFFFFE, v4;
	(pc) =	sbr.rel @p1 .LBB2_3-.Ltmp3, $3  }
0x55: {  	_ =	sdelay $0x1  }
0x56: {  	s22 =	sadd.s32 $0xFFFFFFF0, s22;
	s26 =	sadd.s32 $0xFFFFFFF0, s26;
	(ifvalue) =	ssetifvalue $0xFFFFFFFF  }
0x57: {  	[tilespmem:s26], [sflag:$0x8] =	stream.indirect_vreg.gather [hbm4b:s1+s16], $0x1, v4, vm0, $0x4038;
	[tilespmem:s28+$0x0] =	vst v5  }
0x58: {  	s2 =	sshrl.u32 s25, $0x3  }
0x59: {  	s0 =	sadd.s32 $0x9D40, s0;
	s2 =	sadd.s32 s6, s2  }
0x5a: {  	[tilespmem:s0], [sflag:$0x8] =	stream.linear.gather [hbm:s2], $0x1F40, $0x38;
	[tilespmem:$0x11A60] =	vst v63  }
.LBB2_5:
0x5b: {  	p1 =	slt.u32 s24, $0x2  }
0x5c: {  	p2 =	sge.u32 @!p1 s24, s12  }
0x5d: {  	p1 =	por p1, p2  }
.Ltmp4:
0x5e: {  	_ = 	snop;
	(pc) =	sbr.rel @p1 .LBB2_9-.Ltmp4, $1  }
0x5f: {  	_ =	sdelay $0x3  }
0x60: {  	s0 =	sadd.s32 $0xFFFFFFFE, s24  }
0x61: {  	s2 =	smulhi.u32 $0xAAAAAAAB, s0;
	_ =	sdelay $0x1  }
0x62: {  	s2 =	sshrl.u32 s2, $0x1  }
0x63: {  	s2 =	smul.u32 $0x3, s2;
	_ =	sdelay $0x1  }
0x64: {  	s0 =	ssub.s32 s0, s2  }
0x65: {  	_ =	swait.ge [sflag:s8], $0x3E80;
	s0 =	smul.u32 $0x1F40, s0  }
0x66: {  	p1 =	sne.s32 s24, s11;
	[sflag:s8] =	ssyncset.done $0x0  }
0x67: {  	[sflag:s8] =	ssyncadd.s32 $0xFFFFC180;
	s2 =	sadd.s32 @!p1 $0x203F, s0  }
0x68: {  	[spmem:s13] =	stream.linear.scatter @!p1 [tilespmem:s2], [sflag:$0x1], $0x1, $0x38;
	[tilespmem:$0x11A60] =	vst v63  }
0x69: {  	s2 =	simm.s32 @!p1 $0x1  }
0x6a: {  	_ =	swait.ge @!p1 [sflag:s2], $0x1  }
0x6b: {  	s22 =	sshll.u32 s24, $0x4;
	[sflag:s2] =	ssyncset.done @!p1 $0x0  }
0x6c: {  	s25 =	sand.u32 $0x10, s22;
	[sflag:s2] =	ssyncadd.s32 @!p1 $0xFFFFFFFF  }
0x6d: {  	s2 =	sxor.u32 $0x10, s25;
	v4 =	vld [tilespmem:s25+$0x10]  }
0x6e: {  	v5 =	vld [tilespmem:s2+$0x60]  }
0x6f: {  	v3 =	vld [tilespmem:$0x80];
	_ =	sdelay $0x2  }
0x70: {  	(v2sf) =	vpush v4, $0x0  }
0x71: {  	(v2sf) =	vpush v5, $0x0  }
0x72: {  	(v2sf) =	vpush v3, $0x0;
	_ =	sdelay $0xc  }
0x73: {  	s22 =	spop (v2sf)  }
0x74: {  	s26 =	spop (v2sf)  }
0x75: {  	s28 =	spop (v2sf)  }
0x76: {  	p2 =	seq.s32 s22, s26;
	p3 =	seq.s32 s28, s22  }
0x77: {  	p3 =	por p2, p3  }
0x78: {  	s26 =	sand.u32 $0x1, s24;
	v4 =	vpsel p3, $0xFFFFFFFF, v4  }
0x79: {  	s29 =	smul.u32 $0x1F40, s26;
	[tilespmem:s25+$0x10] =	vst.msk $0x1, v4  }
0x7a: {  	v4 =	vld [tilespmem:$0x30]  }
0x7b: {  	v5 =	vld [tilespmem:s29+$0x9D40]  }
0x7c: {  	v6 =	vld [tilespmem:s25+$0x40];
	_ =	sdelay $0x3  }
0x7d: {  	vm4 =	vmmov vm1;
	v5 =	vadd.f32 v5, v4  }
0x7e: {  	vm5 =	vmmov vm2;
	vm4 =	vmmov @p2 vm2;
	s22 =	sshll.u32 s26, $0x4;
	v4 =	vadd.f32 v6, v4  }
0x7f: {  	s26 =	sor.u32 $0x11A40, s22;
	vm5 =	vmmov @p3 vm1;
	[tilespmem:s29+$0x9D40] =	vst.msk vm4, v5  }
0x80: {  	[tilespmem:s26+$0x0] =	vst.msk vm5, v4  }
0x81: {  	v4 =	vld [tilespmem:s29+$0x7DF0];
	_ =	sdelay $0x3  }
0x82: {  	v5 =	vimm.f32 $0.0e+00  }
0x83: {  	v4 =	vshift.insert v4, v5, s21  }
0x84: {  	s22 =	sor.u32 $0x40, s2  }
0x85: {  	[tilespmem:s22+$0x0] =	vst.msk $0x1, v4  }
0x86: {  	[tilespmem:s29+$0x7DFF] =	vst.msk $0x1, v5  }
0x87: {  	v4 =	vld [tilespmem:s0+$0x2030];
	_ =	sdelay $0x1  }
0x88: {  	s22 =	smulhi.u32 $0xAAAAAAAB, s20;
	s0 =	simm.s32 $0x1  }
0x89: {  	s0 =	simm.s32 @!p0 $0x0  }
0x8a: {  	s22 =	sshrl.u32 s22, $0x1;
	s0 =	smul.u32 $0x7D00, s0  }
0x8b: {  	s22 =	smul.u32 $0xFFFE8900, s22;
	v4 =	vshift.insert v4, v1, s21  }
0x8c: {  	s0 =	sshrl.u32 s0, $0x2  }
0x8d: {  	s22 =	sshra.s32 s22, $0x2;
	s30 =	sadd.s32 $0x9D40, s0;
	[tilespmem:s2+$0x10] =	vst.msk $0x1, v4  }
0x8e: {  	s22 =	sadd.s32 s22, s19;
	v6 =	vld [tilespmem:s30+$0x0]  }
0x8f: {  	v7 =	vld [tilespmem:s22+$0x0];
	_ =	sdelay $0x3  }
0x90: {  	v5 =	vadd.f32 v6, v5  }
0x91: {  	vm4 =	vne.s32 v7, $0xFFFFFFFF  }
0x92: {  	(xrf2) =	vadd.seg.scan.f32 vm4, v5;
	_ =	sdelay $0x3  }
0x93: {  	s31 =	sadd.s32 $0x5EC0, s0;
	v5 =	vperm.xlane v4, v1  }
0x94: {  	v6 =	vld [tilespmem:s31+$0x0]  }
0x95: {  	vm5 =	veq.s32 v7, v3;
	vm6 =	veq.s32 v7, v5  }
0x96: {  	vm7 =	vgt.u32 v7, $0xFFFFFFFD;
	vm6 =	vmor vm6, vm5  }
0x97: {  	vm6 =	vmor vm6, vm7  }
0x98: {  	v9 =	vld [tilespmem:$0xA0];
	v7 =	vsel vm6, $0xFFFFFFFF, v7  }
0x99: {  	v10 =	vld [tilespmem:$0x90];
	v6 =	vsel vm5, $0x0, v6;
	v8, _, _ =	vpop (xrf2)  }
0x9a: {  	v6 =	vadd.f32 v8, v6  }
0x9b: {  	s0 =	sadd.s32 $0xDBC0, s0  }
0x9c: {  	vm4 =	vmand vm4, vm3;
	[tilespmem:s0+$0x0] =	vst v6;
	(ifvalue) =	ssetifvalue $0xFFFFFFFF  }
0x9d: {  	vm6 =	veq.s32 v9, $0x1;
	[hbm4b:s1+s16] =	stream.indirect_vreg.scatter [tilespmem:s0], [sflag:$0x2], $0x1, v7, vm0, $0x4038;
	v7 =	vsel vm4, $0x0, v8;
	[tilespmem:$0x11A60] =	vst v63  }
0x9e: {  	s2 =	simm.s32 $0x0;
	s22 =	sadd.s32 $0x10, s22;
	vm4 =	vmor vm6, vm5;
	v6 =	vsel vm5, v8, v10;
	v7 =	vshift.insert v7, v0, s21  }
.LBB2_7:
0x9f: {  	v8 =	vld [tilespmem:s22+$0x0];
	s30 =	sadd.s32 $0x10, s30  }
0xa0: {  	s31 =	sadd.s32 $0x10, s31;
	v9 =	vld [tilespmem:s30+$0x0]  }
0xa1: {  	s2 =	sadd.s32 $0x10, s2;
	v10 =	vld [tilespmem:s31+$0x0]  }
0xa2: {  	p2 =	slt.u32 s2, $0x1F30;
	_ =	sdelay $0x2  }
0xa3: {  	v7 =	vadd.f32 v9, v7  }
0xa4: {  	vm5 =	vne.s32 v8, $0xFFFFFFFF  }
0xa5: {  	vm6 =	vmand vm5, vm3;
	(xrf2) =	vadd.seg.scan.f32 vm5, v7;
	_ =	sdelay $0x5  }
0xa6: {  	vm7 =	veq.s32 v8, v5;
	vm5 =	veq.s32 v8, v3  }
0xa7: {  	vm8 =	vgt.u32 v8, $0xFFFFFFFD;
	vm4 =	vmor vm4, vm5;
	vm7 =	vmor vm7, vm5  }
0xa8: {  	vm7 =	vmor vm7, vm8  }
0xa9: {  	v8 =	vsel vm7, $0xFFFFFFFF, v8  }
.Ltmp5:
0xaa: {  	v7 =	vsel vm5, $0x0, v10;
	v9, _, _ =	vpop (xrf2);
	(pc) =	sbr.rel @p2 .LBB2_7-.Ltmp5, $4  }
0xab: {  	v6 =	vsel vm5, v9, v6;
	v10 =	vadd.f32 v9, v7;
	v7 =	vsel vm6, $0x0, v9  }
0xac: {  	s0 =	sadd.s32 $0x10, s0;
	v7 =	vshift.insert v7, v0, s21  }
0xad: {  	s22 =	sadd.s32 $0x10, s22;
	[tilespmem:s0+$0x0] =	vst v10;
	(ifvalue) =	ssetifvalue $0xFFFFFFFF  }
0xae: {  	[hbm4b:s1+s16] =	stream.indirect_vreg.scatter [tilespmem:s0], [sflag:$0x2], $0x1, v8, vm0, $0x4038;
	[tilespmem:$0x11A60] =	vst v63  }
0xaf: {  	v3 =	vld [tilespmem:s29+$0xFAF0];
	_ =	sdelay $0x4  }
0xb0: {  	v3 =	vshift.insert v3, v0, s21  }
0xb1: {  	s0 =	simm.s32 $0x30  }
0xb2: {  	[tilespmem:s0+$0x0] =	vst.msk $0x1, v3  }
0xb3: {  	v3 =	vsel vm4, $0x1, v1;
	[tilespmem:$0x90] =	vst v6  }
0xb4: {  	s0 =	sadd.s32 @!p1 $0xFAFF, s29;
	[tilespmem:$0xA0] =	vst v3  }
0xb5: {  	[spmem:s14] =	stream.linear.scatter @!p1 [tilespmem:s0], [sflag:$0x1], $0x1, $0x38;
	[tilespmem:$0x11A60] =	vst v63  }
0xb6: {  	s0 =	simm.s32 @!p1 $0x1  }
0xb7: {  	v3 =	vmctz.xlane @!p1 vm4;
	_ =	swait.ge @!p1 [sflag:s0], $0x1  }
0xb8: {  	(v2sf) =	vpush @!p1 v4, $0x0  }
0xb9: {  	(v2sf) =	vpush @!p1 v3, $0x0;
	_ =	sdelay $0xd  }
0xba: {  	s2 =	spop @!p1 (v2sf)  }
0xbb: {  	s22 =	spop @!p1 (v2sf)  }
0xbc: {  	p2 =	sne.s32 @!p1 s28, s2;
	p3 =	slt.s32 @!p1 s22, $0xF  }
0xbd: {  	[sflag:s0] =	ssyncset.done @!p1 $0x0;
	p2 =	por p2, p1;
	p3 =	por !p3, p1  }
0xbe: {  	[sflag:s0] =	ssyncadd.s32 @!p1 $0xFFFFFFFF;
	v3 =	vimm.s32 @!p2 $0xFFFFFFFF;
	s22 =	simm.s32 @p3 $0xF  }
0xbf: {  	[tilespmem:$0x80] =	vst @!p2 v3;
	s2 =	sadd.s32 @!p1 $0x90, s22  }
0xc0: {  	[spmem:s10] =	stream.linear.scatter @!p1 [tilespmem:s2], [sflag:$0x1], $0x1, $0x38;
	[tilespmem:$0x11A60] =	vst v63  }
0xc1: {  	_ =	swait.ge @!p1 [sflag:s0], $0x1  }
0xc2: {  	[sflag:s0] =	ssyncset.done @!p1 $0x0  }
0xc3: {  	s2 =	simm.s32 @!p1 $0x80;
	[sflag:s0] =	ssyncadd.s32 @!p1 $0xFFFFFFFF  }
0xc4: {  	[spmem:s15] =	stream.linear.scatter @!p1 [tilespmem:s2], [sflag:$0x1], $0x1, $0x38;
	[tilespmem:$0x11A60] =	vst v63  }
0xc5: {  	_ =	swait.ge @!p1 [sflag:s0], $0x1  }
0xc6: {  	[sflag:s0] =	ssyncset.done @!p1 $0x0  }
0xc7: {  	[sflag:s0] =	ssyncadd.s32 @!p1 $0xFFFFFFFF;
	(ifvalue) =	ssetifvalue $0xFFFFFFFF;
	v3 =	vld [tilespmem:s25+$0x10];
	_ =	sdelay $0x3  }
.Ltmp6:
0xc8: {  	_ = 	snop;
	(pc) =	sbr.rel .LBB2_9-.Ltmp6, $3  }
0xc9: {  	_ =	sdelay $0x1  }
0xca: {  	(ifvalue) =	ssetifvalue $0xFFFFFFFF  }
0xcb: {  	[hbm4b:s1+s16] =	stream.indirect_vreg.scatter [tilespmem:s26], [sflag:$0x9], $0x1, v3, vm0, $0x4038;
	[tilespmem:$0x11A60] =	vst v63  }
.LBB2_10:
0xcc: {  	_ =	sfence.sel $0x180000  }
0xcd: {  	s0 =	simm.s32 $0x7;
	[bflag:$0x0] =	sbarrier.arrive $0xFFFF  }
0xce: {  	s26 =	simm.s32 $0x8;
	[sflag:s0] =	ssyncpa.u1 $0x1  }
0xcf: {  	s28 =	simm.s32 $0x9;
	[sflag:s26] =	ssyncpa.u1 $0x1  }
0xd0: {  	[sflag:s28] =	ssyncpa.u1 $0x1  }
0xd1: {  	_ =	sfence.stream.spmem  }
0xd2: {  	s29 =	simm.s32 $0x3;
	[bflag:$0x0] =	sbarrier.arrive $0xFFFF  }
0xd3: {  	s30 =	simm.s32 $0x4;
	[sflag:s29] =	ssyncpa.u1 $0x1  }
0xd4: {  	s31 =	simm.s32 $0x3C;
	s2 =	stileid.u32;
	[sflag:s30] =	ssyncpa.u1 $0x1  }
0xd5: {  	p0 =	sne.s32 s2, $0x0;
	[sflag:s31] =	ssyncpa.u1 $0x1  }
0xd6: {  	s0 =	simm.s32 @p0 $0x1;
	_ =	sfence @p0  }
0xd7: {  	[sflag:s0] =	ssyncpa.u1 @p0 $0x1;
	s0 =	simm.s32 @p0 $0x2  }
0xd8: {  	[sflag:s0] =	ssyncpa.u1 @p0 $0x1  }
0xd9: {  	_ =	strace @p0 $0x90000047  }
0xda: {  	[bflag:$0x2] =	sbarrier.arrive @p0 $0xFFFF  }
0xdb: {  	_ =	shalt @p0  }
.LBB2_11:
0xdc: {  	_ =	sfence.stream.spmem;
	s0 =	simm.s32 $0x5  }
0xdd: {  	s2 =	simm.s32 $0x80;
	s3 =	simm.s32 $0xC0;
	[sflag:s0] =	ssyncpa.u1 $0x0  }
0xde: {  	[tilespmem:s3], [sflag:$0x5] =	stream.linear.gather [spmem:s2], $0x20, $0x38;
	[tilespmem:$0x11A60] =	vst v63  }
0xdf: {  	s2 =	simm.s32 $0x0;
	s3 =	simm.s32 $0xE0  }
0xe0: {  	[tilespmem:s3], [sflag:$0x5] =	stream.linear.gather [spmem:s2], $0x20, $0x38;
	[tilespmem:$0x11A60] =	vst v63  }
.Ltmp7:
0xe1: {  	_ = 	snop;
	(pc) =	sbr.rel .LBB2_12-.Ltmp7, $4  }
0xe2: {  	_ =	swait.ge [sflag:s0], $0x40  }
0xe3: {  	[sflag:s0] =	ssyncset.done $0x0  }
0xe4: {  	s31 =	simm.s32 $0x6;
	[sflag:s0] =	ssyncadd.s32 $0xFFFFFFC0  }
0xe5: {  	s4 =	simm.s32 $0x0;
	[sflag:s31] =	ssyncpa.u1 $0x0  }
.LBB2_17:
0xe6: {  	p0 =	sgt.u32 s5, $0x4E1FFFF  }
0xe7: {  	s0 =	sshrl.u32 @!p0 s5, $0x3  }
0xe8: {  	s5 =	sand.u32 @!p0 $0x7, s5;
	s6 =	simm.s32 @!p0 $0xB0;
	s0 =	sadd.s32 @!p0 s1, s0  }
0xe9: {  	[tilespmem:s6], [sflag:$0x6] =	stream.linear.gather @!p0 [hbm4b:s0+s5], $0x1, $0x38;
	[tilespmem:$0x11A60] =	vst v63  }
0xea: {  	s0 =	simm.s32 @!p0 $0x6  }
0xeb: {  	_ =	swait.ge @!p0 [sflag:s0], $0x1  }
0xec: {  	[sflag:s0] =	ssyncset.done @!p0 $0x0  }
0xed: {  	[sflag:s0] =	ssyncadd.s32 @!p0 $0xFFFFFFFF  }
0xee: {  	v2 =	vmov @!p0 s4;
	v1 =	vld.msk @!p0 [tilespmem:$0xB0], $0x1;
	_ =	sdelay $0x3  }
0xef: {  	s0 =	simm.s32 @!p0 $0xE0  }
0xf0: {  	[tilespmem:v2+s0+$0x0], v1 =	vst.idx.ret.add.f32.msk @!p0 $0x1, v1  }
0xf1: {  	[tilespmem:s2+$0xC0] =	vst.msk $0x1, v0  }
0xf2: {  	v0 =	vld.msk [tilespmem:s4+$0xE0], $0x1;
	_ =	sdelay $0x4  }
0xf3: {  	[tilespmem:s2+$0xE0] =	vst.msk $0x1, v0;
	s2 =	sadd.s32 $0x1, s2  }
.LBB2_19:
0xf4: {  	s4 =	sadd.s32 $0x1, s4  }
0xf5: {  	p0 =	sne.s32 s4, $0x20  }
.Ltmp8:
0xf6: {  	_ = 	snop;
	(pc) =	sbr.rel @!p0 .LBB2_20-.Ltmp8, $1  }
0xf7: {  	_ =	sdelay $0x3  }
.LBB2_12:
0xf8: {  	v0 =	vld.msk [tilespmem:s4+$0xC0], $0x1;
	_ =	sdelay $0x4  }
0xf9: {  	(v2sf) =	vpush v0, $0x0;
	_ =	sdelay $0xe  }
0xfa: {  	s5 =	spop (v2sf)  }
0xfb: {  	p0 =	seq.s32 s5, $0xFFFFFFFF  }
.Ltmp9:
0xfc: {  	_ = 	snop;
	(pc) =	sbr.rel @p0 .LBB2_19-.Ltmp9, $1  }
0xfd: {  	_ =	sdelay $0x3  }
0xfe: {  	p0 =	slt.s32 s2, $0x1  }
.Ltmp10:
0xff: {  	_ = 	snop;
	(pc) =	sbr.rel @p0 .LBB2_17-.Ltmp10, $1  }
0x100: {  	_ =	sdelay $0x3  }
0x101: {  	s0 =	simm.s32 $0xC0;
	p0 =	por $0x0, $0x0  }
0x102: {  	v1 =	vld.msk @!p0 [tilespmem:s0+$0x0], $0x1;
	_ =	sdelay $0x4  }
0x103: {  	(v2sf) =	vpush @!p0 v1, $0x0;
	_ =	sdelay $0xd  }
0x104: {  	p2 =	sne.s32 s2, $0x1  }
.Ltmp11:
0x105: {  	s6 =	spop @!p0 (v2sf);
	(pc) =	sbr.rel @!p2 .LBB2_16-.Ltmp11, $4  }
0x106: {  	p1 =	seq.s32 @!p0 s5, s6  }
0x107: {  	s6 =	simm.s32 $0x0;
	p1 =	por !p1, p0  }
0x108: {  	s8 =	simm.s32 $0xFFFFFFFF;
	s6 =	simm.s32 @p1 $0xFFFFFFFF  }
0x109: {  	s7 =	simm.s32 $0x1;
	s6 =	smov.u32 @p0 s8  }
.LBB2_15:
0x10a: {  	s8 =	smov.u32 s6;
	p0 =	sne.s32 s6, $0xFFFFFFFF  }
0x10b: {  	s0 =	sadd.s32 $0x1, s0;
	s6 =	smov.u32 s7;
	s7 =	sadd.s32 $0x1, s7  }
0x10c: {  	p1 =	sne.s32 s2, s7;
	v1 =	vld.msk @!p0 [tilespmem:s0+$0x0], $0x1;
	_ =	sdelay $0x4  }
0x10d: {  	(v2sf) =	vpush @!p0 v1, $0x0;
	_ =	sdelay $0xe  }
.Ltmp12:
0x10e: {  	s9 =	spop @!p0 (v2sf);
	(pc) =	sbr.rel @p1 .LBB2_15-.Ltmp12, $4  }
0x10f: {  	p2 =	seq.s32 @!p0 s5, s9  }
0x110: {  	p2 =	por !p2, p0  }
0x111: {  	s6 =	simm.s32 @p2 $0xFFFFFFFF  }
0x112: {  	s6 =	smov.u32 @p0 s8  }
.LBB2_16:
0x113: {  	p0 =	sne.s32 s6, $0xFFFFFFFF  }
.Ltmp13:
0x114: {  	_ = 	snop;
	(pc) =	sbr.rel @!p0 .LBB2_17-.Ltmp13, $1  }
0x115: {  	_ =	sdelay $0x3  }
0x116: {  	v0 =	vld.msk [tilespmem:s4+$0xE0], $0x1;
	v1 =	vmov s6  }
.Ltmp14:
0x117: {  	_ = 	snop;
	(pc) =	sbr.rel .LBB2_19-.Ltmp14, $2  }
0x118: {  	_ =	sdelay $0x2  }
0x119: {  	[tilespmem:v1+s3+$0x0], v0 =	vst.idx.ret.add.f32.msk $0x1, v0  }
.LBB2_20:
0x11a: {  	p0 =	slt.s32 s2, $0x1  }
.Ltmp15:
0x11b: {  	_ = 	snop;
	(pc) =	sbr.rel @p0 .LBB2_24-.Ltmp15, $3  }
0x11c: {  	_ =	sdelay $0x1  }
0x11d: {  	s0 =	simm.s32 $0x6  }
0x11e: {  	s3 =	simm.s32 $0x0;
	[sflag:s0] =	ssyncpa.u1 $0x1  }
0x11f: {  	s0 =	simm.s32 $0xC0  }
0x120: {  	v0 =	vld.msk [tilespmem:s0+$0x0], $0x1;
	_ =	sdelay $0x4  }
0x121: {  	(v2sf) =	vpush v0, $0x0;
	_ =	sdelay $0xe  }
0x122: {  	s2 =	sadd.s32 $0xFFFFFFFF, s2;
	s4 =	spop (v2sf)  }
0x123: {  	p1 =	sne.s32 s2, $0x0;
	p0 =	sgt.u32 s4, $0x4E1FFFF  }
.Ltmp16:
0x124: {  	s5 =	sshrl.u32 @!p0 s4, $0x3;
	(pc) =	sbr.rel @!p1 .LBB2_23-.Ltmp16, $4  }
0x125: {  	s0 =	simm.s32 $0xE0;
	s4 =	sand.u32 @!p0 $0x7, s4;
	s5 =	sadd.s32 @!p0 s1, s5  }
0x126: {  	[hbm4b:s5+s4] =	stream.linear.scatter @!p0 [tilespmem:s0], [sflag:$0x5], $0x1, $0x38;
	[tilespmem:$0x11A60] =	vst v63  }
0x127: {  	s5 =	simm.s32 $0x0  }
0x128: {  	s4 =	simm.s32 $0xC1;
	s5 =	simm.s32 @!p0 $0x4  }
.LBB2_22:
0x129: {  	v0 =	vld.msk [tilespmem:s4+$0x0], $0x1;
	s2 =	sadd.s32 $0xFFFFFFFF, s2;
	s3 =	sadd.s32 s3, s5  }
0x12a: {  	p0 =	sne.s32 s2, $0x0;
	_ =	sdelay $0x3  }
0x12b: {  	(v2sf) =	vpush v0, $0x0;
	_ =	sdelay $0xe  }
.Ltmp17:
0x12c: {  	s6 =	spop (v2sf);
	(pc) =	sbr.rel @p0 .LBB2_22-.Ltmp17, $4  }
0x12d: {  	s5 =	simm.s32 $0x0;
	p1 =	sgt.u32 s6, $0x4E1FFFF  }
0x12e: {  	s0 =	sadd.s32 $0x1, s0;
	s5 =	simm.s32 @!p1 $0x4;
	s7 =	sshrl.u32 @!p1 s6, $0x3  }
0x12f: {  	s4 =	sadd.s32 $0x1, s4;
	s6 =	sand.u32 @!p1 $0x7, s6;
	s7 =	sadd.s32 @!p1 s1, s7  }
0x130: {  	[hbm4b:s7+s6] =	stream.linear.scatter @!p1 [tilespmem:s0], [sflag:$0x5], $0x1, $0x38;
	[tilespmem:$0x11A60] =	vst v63  }
.LBB2_23:
0x131: {  	s0 =	sadd.s32 s3, s5  }
0x132: {  	s3 =	sshrl.u32 s0, $0x2  }
.LBB2_24:
0x133: {  	s0 =	simm.s32 $0x5  }
0x134: {  	_ =	swait.ge [sflag:s0], s3  }
0x135: {  	s1 =	ssub.s32 $0x0, s3;
	[sflag:s0] =	ssyncset.done $0x0  }
0x136: {  	[sflag:s0] =	ssyncadd.s32 s1  }
0x137: {  	[sflag:s0] =	ssyncpa.u1 $0x1  }
0x138: {  	s29 =	simm.s32 $0x1;
	_ =	sfence  }
0x139: {  	s30 =	simm.s32 $0x2;
	[sflag:s29] =	ssyncpa.u1 $0x1  }
0x13a: {  	[sflag:s30] =	ssyncpa.u1 $0x1  }
0x13b: {  	_ =	strace $0x90000047  }
0x13c: {  	[bflag:$0x2] =	sbarrier.arrive $0xFFFF  }
0x13d: {  	s31 =	rddreg [dreg:$0x2]  }
0x13e: {  	s0 =	sadd.s32 $0x100000, s31  }
0x13f: {  	[sflag:s0] =	ssyncadd.tile.s32 $0x1;
	_ =	shalt  }
.Lfunc_end2:
_tile_overlayer_lowered:
.L_overlay_start_2:
0x140: {  	(tag) =	ssettag $0x2  }
0x141: {  	s0 =	rddreg [dreg:$0x0];
	s2 =	stileid.u32  }
0x142: {  	s1 =	rddreg [dreg:$0x1];
	p0 =	sne.s32 s2, $0x0  }
0x143: {  	s3 =	rddreg [dreg:$0x2];
	[bflag:$0x3] =	sbarrier.arrive $0xFFFF;
	s2 =	simm.s32 @!p0 $0x1C01  }
0x144: {  	[timem:s3], [sflag:s2] =	dma.local @!p0 [hbm:s0], s1  }
0x145: {  	s0 =	simm.s32 @!p0 $0x1  }
0x146: {  	_ =	swait.ge @!p0 [sflag:s0], s1  }
0x147: {  	s1 =	ssub.s32 @!p0 $0x0, s1;
	[sflag:s0] =	ssyncset.done @!p0 $0x0  }
0x148: {  	[sflag:s0] =	ssyncadd.s32 @!p0 s1  }
0x149: {  	[bflag:$0x3] =	sbarrier.arrive $0xFFFF  }
0x14a: {  	_ =	shalt  }

</sc_bundles>
